<compile_context>
chip_gen: v7x
topology: tpu7x:2x2x1
jax: 0.10.2.dev20260603
libtpu: 0.0.44.dev20260713+nightly
codegen_flags: <defaults>
</compile_context>

<pallas_src>
import jax
import jax.numpy as jnp
from jax import lax
from jax.experimental import pallas as pl
from jax.experimental.pallas import tpu as pltpu
from jax.experimental.pallas import tpu_sc as plsc

_VOCAB = 100000
_EMBED = 64
_BATCH = 4096
_SEQ = 200


_CHUNK = 4096
_NFULL = 24
_MAIN_W = 1664
_TAIL_W = 32
_LAST_W = 1792
_PROJ_PAD = _NFULL * _CHUNK + _LAST_W
_NBUF = 12


def _proj_body(embT_hbm, w_ref, tail_ref, b_ref, out_hbm, *scratch):
    bufs = scratch[:_NBUF]
    obufs = scratch[_NBUF : 2 * _NBUF]
    isems = scratch[2 * _NBUF : 3 * _NBUF]
    osems = scratch[3 * _NBUF :]

    def in_copy(c, s):
        if c < _NFULL:
            return pltpu.make_async_copy(
                embT_hbm.at[:, pl.ds(c * _CHUNK, _CHUNK)], bufs[s], isems[s]
            )
        return pltpu.make_async_copy(
            embT_hbm.at[:, pl.ds(_NFULL * _CHUNK, _MAIN_W)],
            bufs[s].at[:, pl.ds(0, _MAIN_W)],
            isems[s],
        )

    for c in range(_NBUF):
        in_copy(c, c).start()
    for c in range(_NFULL + 1):
        s = c % _NBUF
        in_copy(c, s).wait()
        width = _CHUNK if c < _NFULL else _MAIN_W
        p = lax.dot_general(
            w_ref[...],
            bufs[s][:, :width],
            dimension_numbers=(((1,), (0,)), ((), ())),
            preferred_element_type=jnp.float32,
            precision=lax.Precision.DEFAULT,
        )
        if c == 0:
            lane = lax.broadcasted_iota(jnp.int32, (1, _CHUNK), 1)
            p = jnp.where(lane == 0, 0.0, p)
        nxt = c + _NBUF
        if nxt < _NFULL + 1:
            in_copy(nxt, s).start()
        if c >= _NBUF:
            pltpu.make_async_copy(
                obufs[s].at[0],
                out_hbm.at[pl.ds((c - _NBUF) * _CHUNK, _CHUNK)],
                osems[s],
            ).wait()
        if c < _NFULL:
            obufs[s][...] = p + b_ref[0, 0]
            pltpu.async_copy(
                obufs[s].at[0], out_hbm.at[pl.ds(c * _CHUNK, _CHUNK)], osems[s]
            )
        else:
            obufs[s][0, pl.ds(0, _MAIN_W)] = (p + b_ref[0, 0])[0]
            p_tail = lax.dot_general(
                w_ref[...],
                tail_ref[...],
                dimension_numbers=(((1,), (1,)), ((), ())),
                preferred_element_type=jnp.float32,
                precision=lax.Precision.DEFAULT,
            )
            obufs[s][0, pl.ds(_MAIN_W, _TAIL_W)] = (p_tail + b_ref[0, 0])[0]
            pltpu.async_copy(
                obufs[s].at[0, pl.ds(0, _LAST_W)],
                out_hbm.at[pl.ds(_NFULL * _CHUNK, _LAST_W)],
                osems[s],
            )
    for c in range(_NFULL + 1 - _NBUF, _NFULL + 1):
        s = c % _NBUF
        if c < _NFULL:
            pltpu.make_async_copy(
                obufs[s].at[0], out_hbm.at[pl.ds(c * _CHUNK, _CHUNK)], osems[s]
            ).wait()
        else:
            pltpu.make_async_copy(
                obufs[s].at[0, pl.ds(0, _LAST_W)],
                out_hbm.at[pl.ds(_NFULL * _CHUNK, _LAST_W)],
                osems[s],
            ).wait()


def _project(emb, fc_w, fc_b):
    embT = emb.T
    w2 = fc_w.reshape(1, _EMBED)
    tail = lax.slice(emb, (_VOCAB - _TAIL_W, 0), (_VOCAB, _EMBED))
    b2 = fc_b.reshape(1, 1)
    return pl.pallas_call(
        _proj_body,
        in_specs=[
            pl.BlockSpec(memory_space=pl.ANY),
            pl.BlockSpec(memory_space=pltpu.MemorySpace.VMEM),
            pl.BlockSpec(memory_space=pltpu.MemorySpace.VMEM),
            pl.BlockSpec(memory_space=pltpu.MemorySpace.VMEM),
        ],
        out_specs=pl.BlockSpec(memory_space=pl.ANY),
        out_shape=jax.ShapeDtypeStruct((_PROJ_PAD,), jnp.float32),
        scratch_shapes=(
            [pltpu.VMEM((_EMBED, _CHUNK), jnp.float32) for _ in range(_NBUF)]
            + [pltpu.VMEM((1, _CHUNK), jnp.float32) for _ in range(_NBUF)]
            + [pltpu.SemaphoreType.DMA for _ in range(2 * _NBUF)]
        ),
    )(embT, w2, tail, b2)



_NC = 2
_NS = 16
_NW = _NC * _NS
_RPT = _BATCH // _NW
_L = 16
_G = _RPT // _L


def _sc_body(xt_hbm, proj_hbm, out_hbm, proj_v, x_v, out_v, sem_p, sem_x):
    wid = lax.axis_index("s") * _NC + lax.axis_index("c")
    base = wid * _RPT
    cp = pltpu.async_copy(proj_hbm, proj_v, sem_p)
    cx = pltpu.async_copy(xt_hbm.at[:, pl.ds(base, _RPT)], x_v, sem_x)
    cp.wait()
    cx.wait()

    def body(t, accs):
        new = []
        for g in range(_G):
            idx = x_v[t, pl.ds(g * _L, _L)]
            vals = plsc.load_gather(proj_v, [idx])
            new.append(accs[g] + vals)
        return tuple(new)

    accs0 = tuple(jnp.zeros((_L,), jnp.float32) for _ in range(_G))
    accs = lax.fori_loop(0, _SEQ, body, accs0, unroll=5)

    for g in range(_G):
        z = accs[g] * (1.0 / _SEQ)
        out_v[pl.ds(g * _L, _L)] = 1.0 / (1.0 + jnp.exp(-z))
    pltpu.sync_copy(out_v, out_hbm.at[pl.ds(base, _RPT)])


_sc_call = pl.kernel(
    _sc_body,
    out_type=jax.ShapeDtypeStruct((_BATCH,), jnp.float32),
    mesh=plsc.VectorSubcoreMesh(core_axis_name="c", subcore_axis_name="s"),
    compiler_params=pltpu.CompilerParams(needs_layout_passes=False),
    scratch_types=[
        pltpu.VMEM((_PROJ_PAD,), jnp.float32),
        pltpu.VMEM((_SEQ, _RPT), jnp.int32),
        pltpu.VMEM((_RPT,), jnp.float32),
        pltpu.SemaphoreType.DMA,
        pltpu.SemaphoreType.DMA,
    ],
)


def kernel(x, emb, fc_w, fc_b):
    proj = _project(emb, fc_w, fc_b)
    return _sc_call(x.astype(jnp.int32).T, proj)

# --- scband reference (transcript-rebuilt; emitter-appended) ---
"""Pipeline reference for scband-spam-classifier-81595788689869 (READ-ONLY COPY).

The authoritative reference and input builder live on the scoring server;
editing this copy changes nothing except your own understanding.
"""

import jax, jax.numpy as jnp
import numpy as np

VOCAB = 100000
EMBED_DIM = 64
BATCH = 4096
SEQ = 200

def setup_inputs(seed: int = 0) -> dict:
    key = jax.random.key(seed)
    k_x, k_emb, k_w, k_b = jax.random.split(key, 4)
    x = jax.random.randint(k_x, (BATCH, SEQ), 0, VOCAB, dtype=jnp.int64 if jax.config.jax_enable_x64 else jnp.int32)
    emb = jax.random.normal(k_emb, (VOCAB, EMBED_DIM), dtype=jnp.float32) * 0.02
    # padding_idx=0: row 0 is zeros
    emb = emb.at[0].set(0.0)
    fc_w = jax.random.normal(k_w, (EMBED_DIM, 1), dtype=jnp.float32) * (1.0 / np.sqrt(EMBED_DIM))
    fc_b = jnp.zeros((1,), dtype=jnp.float32)
    return {"x": x, "emb": emb, "fc_w": fc_w, "fc_b": fc_b}

def reference(x, emb, fc_w, fc_b):
    # embedding lookup with padding_idx=0 (row 0 zeroed)
    emb_eff = emb.at[0].set(0.0)
    embeds = jnp.take(emb_eff, x, axis=0)            # [B, L, D]
    pooled = embeds.mean(axis=1)                      # [B, D]
    # dropout is identity in eval mode
    out = pooled @ fc_w + fc_b                        # [B, 1]
    return jax.nn.sigmoid(out).squeeze(1)             # [B]

if __name__ == "__main__":
    import jax
    _d = setup_inputs()
    print(jax.jit(kernel)(*tuple(_d.values())))

</pallas_src>

<mosaic_0001>
#map = affine_map<(d0, d1) -> (0, 0)>
#map1 = affine_map<(d0, d1) -> (0)>
module attributes {stable_mosaic.version = 14 : i64} {
  func.func @_sc_body(%arg0: i32, %arg1: i32, %arg2: memref<200x4096xi32, #tpu.memory_space<hbm>>, %arg3: memref<100096xf32, #tpu.memory_space<hbm>>, %arg4: memref<4096xf32, #tpu.memory_space<hbm>>, %arg5: memref<100096xf32, #tpu.memory_space<vmem>>, %arg6: memref<200x128xi32, #tpu.memory_space<vmem>>, %arg7: memref<128xf32, #tpu.memory_space<vmem>>, %arg8: memref<!tpu.dma_semaphore, #tpu.memory_space<semaphore_mem>>, %arg9: memref<!tpu.dma_semaphore, #tpu.memory_space<semaphore_mem>>) attributes {dimension_semantics = [#tpu.dimension_semantics<core_parallel>, #tpu.dimension_semantics<subcore_parallel>], iteration_bounds = array<i64: 2, 16>, scalar_prefetch = 0 : i64, scratch_operands = 5 : i64, tpu.core_type = #tpu.core_type<sc_vector_subcore>, window_params = [{transform_indices = #map}, {transform_indices = #map1}, {transform_indices = #map1}]} {
    %mul3A = arith.constant 2 : i32
    %mul3A_0 = arith.muli %arg1, %mul3A : i32
    %add3A = arith.addi %mul3A_0, %arg0 : i32
    %mul3A_1 = arith.constant 128 : i32
    %mul3A_2 = arith.muli %add3A, %mul3A_1 : i32
    tpu.enqueue_dma source(%arg3 : memref<100096xf32, #tpu.memory_space<hbm>>) target(%arg5 : memref<100096xf32, #tpu.memory_space<vmem>>) target_semaphore(%arg8 : memref<!tpu.dma_semaphore, #tpu.memory_space<semaphore_mem>>)
    %dma_start3A = arith.constant 0 : i32
    %dma_start3A_3 = tpu.memref_slice %arg2[%dma_start3A, %mul3A_2] : memref<200x4096xi32, #tpu.memory_space<hbm>> -> memref<200x128xi32, #tpu.memory_space<hbm>>
    %dma_start3A_4 = arith.constant 0 : i32
    %dma_start3A_5 = tpu.memref_slice %arg2[%dma_start3A_4, %mul3A_2] : memref<200x4096xi32, #tpu.memory_space<hbm>> -> memref<200x128xi32, #tpu.memory_space<hbm>>
    tpu.enqueue_dma source(%dma_start3A_5 : memref<200x128xi32, #tpu.memory_space<hbm>>) target(%arg6 : memref<200x128xi32, #tpu.memory_space<vmem>>) target_semaphore(%arg9 : memref<!tpu.dma_semaphore, #tpu.memory_space<semaphore_mem>>)
    tpu.wait_dma2 semaphore(%arg8 : memref<!tpu.dma_semaphore, #tpu.memory_space<semaphore_mem>>) src(%arg3 : memref<100096xf32, #tpu.memory_space<hbm>>) dst(%arg5 : memref<100096xf32, #tpu.memory_space<vmem>>)
    %dma_wait3A = arith.constant 0 : i32
    %dma_wait3A_6 = tpu.memref_slice %arg2[%dma_wait3A, %mul3A_2] : memref<200x4096xi32, #tpu.memory_space<hbm>> -> memref<200x128xi32, #tpu.memory_space<hbm>>
    %dma_wait3A_7 = arith.constant 0 : i32
    %dma_wait3A_8 = tpu.memref_slice %arg2[%dma_wait3A_7, %mul3A_2] : memref<200x4096xi32, #tpu.memory_space<hbm>> -> memref<200x128xi32, #tpu.memory_space<hbm>>
    tpu.wait_dma2 semaphore(%arg9 : memref<!tpu.dma_semaphore, #tpu.memory_space<semaphore_mem>>) src(%dma_wait3A_8 : memref<200x128xi32, #tpu.memory_space<hbm>>) dst(%arg6 : memref<200x128xi32, #tpu.memory_space<vmem>>)
    %broadcast_in_dim3A = arith.constant 0.000000e+00 : f32
    %broadcast_in_dim3A_9 = vector.broadcast %broadcast_in_dim3A : f32 to vector<16xf32>
    %broadcast_in_dim3A_10 = arith.constant 0.000000e+00 : f32
    %broadcast_in_dim3A_11 = vector.broadcast %broadcast_in_dim3A_10 : f32 to vector<16xf32>
    %broadcast_in_dim3A_12 = arith.constant 0.000000e+00 : f32
    %broadcast_in_dim3A_13 = vector.broadcast %broadcast_in_dim3A_12 : f32 to vector<16xf32>
    %broadcast_in_dim3A_14 = arith.constant 0.000000e+00 : f32
    %broadcast_in_dim3A_15 = vector.broadcast %broadcast_in_dim3A_14 : f32 to vector<16xf32>
    %broadcast_in_dim3A_16 = arith.constant 0.000000e+00 : f32
    %broadcast_in_dim3A_17 = vector.broadcast %broadcast_in_dim3A_16 : f32 to vector<16xf32>
    %broadcast_in_dim3A_18 = arith.constant 0.000000e+00 : f32
    %broadcast_in_dim3A_19 = vector.broadcast %broadcast_in_dim3A_18 : f32 to vector<16xf32>
    %broadcast_in_dim3A_20 = arith.constant 0.000000e+00 : f32
    %broadcast_in_dim3A_21 = vector.broadcast %broadcast_in_dim3A_20 : f32 to vector<16xf32>
    %broadcast_in_dim3A_22 = arith.constant 0.000000e+00 : f32
    %broadcast_in_dim3A_23 = vector.broadcast %broadcast_in_dim3A_22 : f32 to vector<16xf32>
    %scan3A = arith.constant 0 : i32
    %scan3A_24 = arith.constant 200 : i32
    %scan3A_25 = arith.addi %scan3A, %scan3A_24 : i32
    %scan3A_26 = arith.constant 5 : i32
    %scan3A_27:8 = scf.for %scan3A_145 = %scan3A to %scan3A_25 step %scan3A_26 iter_args(%scan3A_146 = %broadcast_in_dim3A_9, %scan3A_147 = %broadcast_in_dim3A_11, %scan3A_148 = %broadcast_in_dim3A_13, %scan3A_149 = %broadcast_in_dim3A_15, %scan3A_150 = %broadcast_in_dim3A_17, %scan3A_151 = %broadcast_in_dim3A_19, %scan3A_152 = %broadcast_in_dim3A_21, %scan3A_153 = %broadcast_in_dim3A_23) -> (vector<16xf32>, vector<16xf32>, vector<16xf32>, vector<16xf32>, vector<16xf32>, vector<16xf32>, vector<16xf32>, vector<16xf32>)  : i32 {
      %get3A = arith.index_cast %scan3A_145 : i32 to index
      %get3A_154 = arith.constant 0 : index
      %get3A_155 = tpu.vector_load %arg6[%get3A, %get3A_154] {strides = array<i32>} : memref<200x128xi32, #tpu.memory_space<vmem>>, vector<16xi32>,
      %gather3A = tpu.vector_load_idx %arg5[%get3A_155] : memref<100096xf32, #tpu.memory_space<vmem>>[vector<16xi32>], vector<16xf32>,
      %add3A_156 = arith.addf %scan3A_146, %gather3A : vector<16xf32>
      %get3A_157 = arith.index_cast %scan3A_145 : i32 to index
      %get3A_158 = arith.constant 16 : index
      %get3A_159 = tpu.vector_load %arg6[%get3A_157, %get3A_158] {strides = array<i32>} : memref<200x128xi32, #tpu.memory_space<vmem>>, vector<16xi32>,
      %gather3A_160 = tpu.vector_load_idx %arg5[%get3A_159] : memref<100096xf32, #tpu.memory_space<vmem>>[vector<16xi32>], vector<16xf32>,
      %add3A_161 = arith.addf %scan3A_147, %gather3A_160 : vector<16xf32>
      %get3A_162 = arith.index_cast %scan3A_145 : i32 to index
      %get3A_163 = arith.constant 32 : index
      %get3A_164 = tpu.vector_load %arg6[%get3A_162, %get3A_163] {strides = array<i32>} : memref<200x128xi32, #tpu.memory_space<vmem>>, vector<16xi32>,
      %gather3A_165 = tpu.vector_load_idx %arg5[%get3A_164] : memref<100096xf32, #tpu.memory_space<vmem>>[vector<16xi32>], vector<16xf32>,
      %add3A_166 = arith.addf %scan3A_148, %gather3A_165 : vector<16xf32>
      %get3A_167 = arith.index_cast %scan3A_145 : i32 to index
      %get3A_168 = arith.constant 48 : index
      %get3A_169 = tpu.vector_load %arg6[%get3A_167, %get3A_168] {strides = array<i32>} : memref<200x128xi32, #tpu.memory_space<vmem>>, vector<16xi32>,
      %gather3A_170 = tpu.vector_load_idx %arg5[%get3A_169] : memref<100096xf32, #tpu.memory_space<vmem>>[vector<16xi32>], vector<16xf32>,
      %add3A_171 = arith.addf %scan3A_149, %gather3A_170 : vector<16xf32>
      %get3A_172 = arith.index_cast %scan3A_145 : i32 to index
      %get3A_173 = arith.constant 64 : index
      %get3A_174 = tpu.vector_load %arg6[%get3A_172, %get3A_173] {strides = array<i32>} : memref<200x128xi32, #tpu.memory_space<vmem>>, vector<16xi32>,
      %gather3A_175 = tpu.vector_load_idx %arg5[%get3A_174] : memref<100096xf32, #tpu.memory_space<vmem>>[vector<16xi32>], vector<16xf32>,
      %add3A_176 = arith.addf %scan3A_150, %gather3A_175 : vector<16xf32>
      %get3A_177 = arith.index_cast %scan3A_145 : i32 to index
      %get3A_178 = arith.constant 80 : index
      %get3A_179 = tpu.vector_load %arg6[%get3A_177, %get3A_178] {strides = array<i32>} : memref<200x128xi32, #tpu.memory_space<vmem>>, vector<16xi32>,
      %gather3A_180 = tpu.vector_load_idx %arg5[%get3A_179] : memref<100096xf32, #tpu.memory_space<vmem>>[vector<16xi32>], vector<16xf32>,
      %add3A_181 = arith.addf %scan3A_151, %gather3A_180 : vector<16xf32>
      %get3A_182 = arith.index_cast %scan3A_145 : i32 to index
      %get3A_183 = arith.constant 96 : index
      %get3A_184 = tpu.vector_load %arg6[%get3A_182, %get3A_183] {strides = array<i32>} : memref<200x128xi32, #tpu.memory_space<vmem>>, vector<16xi32>,
      %gather3A_185 = tpu.vector_load_idx %arg5[%get3A_184] : memref<100096xf32, #tpu.memory_space<vmem>>[vector<16xi32>], vector<16xf32>,
      %add3A_186 = arith.addf %scan3A_152, %gather3A_185 : vector<16xf32>
      %get3A_187 = arith.index_cast %scan3A_145 : i32 to index
      %get3A_188 = arith.constant 112 : index
      %get3A_189 = tpu.vector_load %arg6[%get3A_187, %get3A_188] {strides = array<i32>} : memref<200x128xi32, #tpu.memory_space<vmem>>, vector<16xi32>,
      %gather3A_190 = tpu.vector_load_idx %arg5[%get3A_189] : memref<100096xf32, #tpu.memory_space<vmem>>[vector<16xi32>], vector<16xf32>,
      %add3A_191 = arith.addf %scan3A_153, %gather3A_190 : vector<16xf32>
      %scan3A_192 = arith.constant 1 : i32
      %scan3A_193 = arith.addi %scan3A_145, %scan3A_192 : i32
      %get3A_194 = arith.index_cast %scan3A_193 : i32 to index
      %get3A_195 = arith.constant 0 : index
      %get3A_196 = tpu.vector_load %arg6[%get3A_194, %get3A_195] {strides = array<i32>} : memref<200x128xi32, #tpu.memory_space<vmem>>, vector<16xi32>,
      %gather3A_197 = tpu.vector_load_idx %arg5[%get3A_196] : memref<100096xf32, #tpu.memory_space<vmem>>[vector<16xi32>], vector<16xf32>,
      %add3A_198 = arith.addf %add3A_156, %gather3A_197 : vector<16xf32>
      %get3A_199 = arith.index_cast %scan3A_193 : i32 to index
      %get3A_200 = arith.constant 16 : index
      %get3A_201 = tpu.vector_load %arg6[%get3A_199, %get3A_200] {strides = array<i32>} : memref<200x128xi32, #tpu.memory_space<vmem>>, vector<16xi32>,
      %gather3A_202 = tpu.vector_load_idx %arg5[%get3A_201] : memref<100096xf32, #tpu.memory_space<vmem>>[vector<16xi32>], vector<16xf32>,
      %add3A_203 = arith.addf %add3A_161, %gather3A_202 : vector<16xf32>
      %get3A_204 = arith.index_cast %scan3A_193 : i32 to index
      %get3A_205 = arith.constant 32 : index
      %get3A_206 = tpu.vector_load %arg6[%get3A_204, %get3A_205] {strides = array<i32>} : memref<200x128xi32, #tpu.memory_space<vmem>>, vector<16xi32>,
      %gather3A_207 = tpu.vector_load_idx %arg5[%get3A_206] : memref<100096xf32, #tpu.memory_space<vmem>>[vector<16xi32>], vector<16xf32>,
      %add3A_208 = arith.addf %add3A_166, %gather3A_207 : vector<16xf32>
      %get3A_209 = arith.index_cast %scan3A_193 : i32 to index
      %get3A_210 = arith.constant 48 : index
      %get3A_211 = tpu.vector_load %arg6[%get3A_209, %get3A_210] {strides = array<i32>} : memref<200x128xi32, #tpu.memory_space<vmem>>, vector<16xi32>,
      %gather3A_212 = tpu.vector_load_idx %arg5[%get3A_211] : memref<100096xf32, #tpu.memory_space<vmem>>[vector<16xi32>], vector<16xf32>,
      %add3A_213 = arith.addf %add3A_171, %gather3A_212 : vector<16xf32>
      %get3A_214 = arith.index_cast %scan3A_193 : i32 to index
      %get3A_215 = arith.constant 64 : index
      %get3A_216 = tpu.vector_load %arg6[%get3A_214, %get3A_215] {strides = array<i32>} : memref<200x128xi32, #tpu.memory_space<vmem>>, vector<16xi32>,
      %gather3A_217 = tpu.vector_load_idx %arg5[%get3A_216] : memref<100096xf32, #tpu.memory_space<vmem>>[vector<16xi32>], vector<16xf32>,
      %add3A_218 = arith.addf %add3A_176, %gather3A_217 : vector<16xf32>
      %get3A_219 = arith.index_cast %scan3A_193 : i32 to index
      %get3A_220 = arith.constant 80 : index
      %get3A_221 = tpu.vector_load %arg6[%get3A_219, %get3A_220] {strides = array<i32>} : memref<200x128xi32, #tpu.memory_space<vmem>>, vector<16xi32>,
      %gather3A_222 = tpu.vector_load_idx %arg5[%get3A_221] : memref<100096xf32, #tpu.memory_space<vmem>>[vector<16xi32>], vector<16xf32>,
      %add3A_223 = arith.addf %add3A_181, %gather3A_222 : vector<16xf32>
      %get3A_224 = arith.index_cast %scan3A_193 : i32 to index
      %get3A_225 = arith.constant 96 : index
      %get3A_226 = tpu.vector_load %arg6[%get3A_224, %get3A_225] {strides = array<i32>} : memref<200x128xi32, #tpu.memory_space<vmem>>, vector<16xi32>,
      %gather3A_227 = tpu.vector_load_idx %arg5[%get3A_226] : memref<100096xf32, #tpu.memory_space<vmem>>[vector<16xi32>], vector<16xf32>,
      %add3A_228 = arith.addf %add3A_186, %gather3A_227 : vector<16xf32>
      %get3A_229 = arith.index_cast %scan3A_193 : i32 to index
      %get3A_230 = arith.constant 112 : index
      %get3A_231 = tpu.vector_load %arg6[%get3A_229, %get3A_230] {strides = array<i32>} : memref<200x128xi32, #tpu.memory_space<vmem>>, vector<16xi32>,
      %gather3A_232 = tpu.vector_load_idx %arg5[%get3A_231] : memref<100096xf32, #tpu.memory_space<vmem>>[vector<16xi32>], vector<16xf32>,
      %add3A_233 = arith.addf %add3A_191, %gather3A_232 : vector<16xf32>
      %scan3A_234 = arith.constant 2 : i32
      %scan3A_235 = arith.addi %scan3A_145, %scan3A_234 : i32
      %get3A_236 = arith.index_cast %scan3A_235 : i32 to index
      %get3A_237 = arith.constant 0 : index
      %get3A_238 = tpu.vector_load %arg6[%get3A_236, %get3A_237] {strides = array<i32>} : memref<200x128xi32, #tpu.memory_space<vmem>>, vector<16xi32>,
      %gather3A_239 = tpu.vector_load_idx %arg5[%get3A_238] : memref<100096xf32, #tpu.memory_space<vmem>>[vector<16xi32>], vector<16xf32>,
      %add3A_240 = arith.addf %add3A_198, %gather3A_239 : vector<16xf32>
      %get3A_241 = arith.index_cast %scan3A_235 : i32 to index
      %get3A_242 = arith.constant 16 : index
      %get3A_243 = tpu.vector_load %arg6[%get3A_241, %get3A_242] {strides = array<i32>} : memref<200x128xi32, #tpu.memory_space<vmem>>, vector<16xi32>,
      %gather3A_244 = tpu.vector_load_idx %arg5[%get3A_243] : memref<100096xf32, #tpu.memory_space<vmem>>[vector<16xi32>], vector<16xf32>,
      %add3A_245 = arith.addf %add3A_203, %gather3A_244 : vector<16xf32>
      %get3A_246 = arith.index_cast %scan3A_235 : i32 to index
      %get3A_247 = arith.constant 32 : index
      %get3A_248 = tpu.vector_load %arg6[%get3A_246, %get3A_247] {strides = array<i32>} : memref<200x128xi32, #tpu.memory_space<vmem>>, vector<16xi32>,
      %gather3A_249 = tpu.vector_load_idx %arg5[%get3A_248] : memref<100096xf32, #tpu.memory_space<vmem>>[vector<16xi32>], vector<16xf32>,
      %add3A_250 = arith.addf %add3A_208, %gather3A_249 : vector<16xf32>
      %get3A_251 = arith.index_cast %scan3A_235 : i32 to index
      %get3A_252 = arith.constant 48 : index
      %get3A_253 = tpu.vector_load %arg6[%get3A_251, %get3A_252] {strides = array<i32>} : memref<200x128xi32, #tpu.memory_space<vmem>>, vector<16xi32>,
      %gather3A_254 = tpu.vector_load_idx %arg5[%get3A_253] : memref<100096xf32, #tpu.memory_space<vmem>>[vector<16xi32>], vector<16xf32>,
      %add3A_255 = arith.addf %add3A_213, %gather3A_254 : vector<16xf32>
      %get3A_256 = arith.index_cast %scan3A_235 : i32 to index
      %get3A_257 = arith.constant 64 : index
      %get3A_258 = tpu.vector_load %arg6[%get3A_256, %get3A_257] {strides = array<i32>} : memref<200x128xi32, #tpu.memory_space<vmem>>, vector<16xi32>,
      %gather3A_259 = tpu.vector_load_idx %arg5[%get3A_258] : memref<100096xf32, #tpu.memory_space<vmem>>[vector<16xi32>], vector<16xf32>,
      %add3A_260 = arith.addf %add3A_218, %gather3A_259 : vector<16xf32>
      %get3A_261 = arith.index_cast %scan3A_235 : i32 to index
      %get3A_262 = arith.constant 80 : index
      %get3A_263 = tpu.vector_load %arg6[%get3A_261, %get3A_262] {strides = array<i32>} : memref<200x128xi32, #tpu.memory_space<vmem>>, vector<16xi32>,
      %gather3A_264 = tpu.vector_load_idx %arg5[%get3A_263] : memref<100096xf32, #tpu.memory_space<vmem>>[vector<16xi32>], vector<16xf32>,
      %add3A_265 = arith.addf %add3A_223, %gather3A_264 : vector<16xf32>
      %get3A_266 = arith.index_cast %scan3A_235 : i32 to index
      %get3A_267 = arith.constant 96 : index
      %get3A_268 = tpu.vector_load %arg6[%get3A_266, %get3A_267] {strides = array<i32>} : memref<200x128xi32, #tpu.memory_space<vmem>>, vector<16xi32>,
      %gather3A_269 = tpu.vector_load_idx %arg5[%get3A_268] : memref<100096xf32, #tpu.memory_space<vmem>>[vector<16xi32>], vector<16xf32>,
      %add3A_270 = arith.addf %add3A_228, %gather3A_269 : vector<16xf32>
      %get3A_271 = arith.index_cast %scan3A_235 : i32 to index
      %get3A_272 = arith.constant 112 : index
      %get3A_273 = tpu.vector_load %arg6[%get3A_271, %get3A_272] {strides = array<i32>} : memref<200x128xi32, #tpu.memory_space<vmem>>, vector<16xi32>,
      %gather3A_274 = tpu.vector_load_idx %arg5[%get3A_273] : memref<100096xf32, #tpu.memory_space<vmem>>[vector<16xi32>], vector<16xf32>,
      %add3A_275 = arith.addf %add3A_233, %gather3A_274 : vector<16xf32>
      %scan3A_276 = arith.constant 3 : i32
      %scan3A_277 = arith.addi %scan3A_145, %scan3A_276 : i32
      %get3A_278 = arith.index_cast %scan3A_277 : i32 to index
      %get3A_279 = arith.constant 0 : index
      %get3A_280 = tpu.vector_load %arg6[%get3A_278, %get3A_279] {strides = array<i32>} : memref<200x128xi32, #tpu.memory_space<vmem>>, vector<16xi32>,
      %gather3A_281 = tpu.vector_load_idx %arg5[%get3A_280] : memref<100096xf32, #tpu.memory_space<vmem>>[vector<16xi32>], vector<16xf32>,
      %add3A_282 = arith.addf %add3A_240, %gather3A_281 : vector<16xf32>
      %get3A_283 = arith.index_cast %scan3A_277 : i32 to index
      %get3A_284 = arith.constant 16 : index
      %get3A_285 = tpu.vector_load %arg6[%get3A_283, %get3A_284] {strides = array<i32>} : memref<200x128xi32, #tpu.memory_space<vmem>>, vector<16xi32>,
      %gather3A_286 = tpu.vector_load_idx %arg5[%get3A_285] : memref<100096xf32, #tpu.memory_space<vmem>>[vector<16xi32>], vector<16xf32>,
      %add3A_287 = arith.addf %add3A_245, %gather3A_286 : vector<16xf32>
      %get3A_288 = arith.index_cast %scan3A_277 : i32 to index
      %get3A_289 = arith.constant 32 : index
      %get3A_290 = tpu.vector_load %arg6[%get3A_288, %get3A_289] {strides = array<i32>} : memref<200x128xi32, #tpu.memory_space<vmem>>, vector<16xi32>,
      %gather3A_291 = tpu.vector_load_idx %arg5[%get3A_290] : memref<100096xf32, #tpu.memory_space<vmem>>[vector<16xi32>], vector<16xf32>,
      %add3A_292 = arith.addf %add3A_250, %gather3A_291 : vector<16xf32>
      %get3A_293 = arith.index_cast %scan3A_277 : i32 to index
      %get3A_294 = arith.constant 48 : index
      %get3A_295 = tpu.vector_load %arg6[%get3A_293, %get3A_294] {strides = array<i32>} : memref<200x128xi32, #tpu.memory_space<vmem>>, vector<16xi32>,
      %gather3A_296 = tpu.vector_load_idx %arg5[%get3A_295] : memref<100096xf32, #tpu.memory_space<vmem>>[vector<16xi32>], vector<16xf32>,
      %add3A_297 = arith.addf %add3A_255, %gather3A_296 : vector<16xf32>
      %get3A_298 = arith.index_cast %scan3A_277 : i32 to index
      %get3A_299 = arith.constant 64 : index
      %get3A_300 = tpu.vector_load %arg6[%get3A_298, %get3A_299] {strides = array<i32>} : memref<200x128xi32, #tpu.memory_space<vmem>>, vector<16xi32>,
      %gather3A_301 = tpu.vector_load_idx %arg5[%get3A_300] : memref<100096xf32, #tpu.memory_space<vmem>>[vector<16xi32>], vector<16xf32>,
      %add3A_302 = arith.addf %add3A_260, %gather3A_301 : vector<16xf32>
      %get3A_303 = arith.index_cast %scan3A_277 : i32 to index
      %get3A_304 = arith.constant 80 : index
      %get3A_305 = tpu.vector_load %arg6[%get3A_303, %get3A_304] {strides = array<i32>} : memref<200x128xi32, #tpu.memory_space<vmem>>, vector<16xi32>,
      %gather3A_306 = tpu.vector_load_idx %arg5[%get3A_305] : memref<100096xf32, #tpu.memory_space<vmem>>[vector<16xi32>], vector<16xf32>,
      %add3A_307 = arith.addf %add3A_265, %gather3A_306 : vector<16xf32>
      %get3A_308 = arith.index_cast %scan3A_277 : i32 to index
      %get3A_309 = arith.constant 96 : index
      %get3A_310 = tpu.vector_load %arg6[%get3A_308, %get3A_309] {strides = array<i32>} : memref<200x128xi32, #tpu.memory_space<vmem>>, vector<16xi32>,
      %gather3A_311 = tpu.vector_load_idx %arg5[%get3A_310] : memref<100096xf32, #tpu.memory_space<vmem>>[vector<16xi32>], vector<16xf32>,
      %add3A_312 = arith.addf %add3A_270, %gather3A_311 : vector<16xf32>
      %get3A_313 = arith.index_cast %scan3A_277 : i32 to index
      %get3A_314 = arith.constant 112 : index
      %get3A_315 = tpu.vector_load %arg6[%get3A_313, %get3A_314] {strides = array<i32>} : memref<200x128xi32, #tpu.memory_space<vmem>>, vector<16xi32>,
      %gather3A_316 = tpu.vector_load_idx %arg5[%get3A_315] : memref<100096xf32, #tpu.memory_space<vmem>>[vector<16xi32>], vector<16xf32>,
      %add3A_317 = arith.addf %add3A_275, %gather3A_316 : vector<16xf32>
      %scan3A_318 = arith.constant 4 : i32
      %scan3A_319 = arith.addi %scan3A_145, %scan3A_318 : i32
      %get3A_320 = arith.index_cast %scan3A_319 : i32 to index
      %get3A_321 = arith.constant 0 : index
      %get3A_322 = tpu.vector_load %arg6[%get3A_320, %get3A_321] {strides = array<i32>} : memref<200x128xi32, #tpu.memory_space<vmem>>, vector<16xi32>,
      %gather3A_323 = tpu.vector_load_idx %arg5[%get3A_322] : memref<100096xf32, #tpu.memory_space<vmem>>[vector<16xi32>], vector<16xf32>,
      %add3A_324 = arith.addf %add3A_282, %gather3A_323 : vector<16xf32>
      %get3A_325 = arith.index_cast %scan3A_319 : i32 to index
      %get3A_326 = arith.constant 16 : index
      %get3A_327 = tpu.vector_load %arg6[%get3A_325, %get3A_326] {strides = array<i32>} : memref<200x128xi32, #tpu.memory_space<vmem>>, vector<16xi32>,
      %gather3A_328 = tpu.vector_load_idx %arg5[%get3A_327] : memref<100096xf32, #tpu.memory_space<vmem>>[vector<16xi32>], vector<16xf32>,
      %add3A_329 = arith.addf %add3A_287, %gather3A_328 : vector<16xf32>
      %get3A_330 = arith.index_cast %scan3A_319 : i32 to index
      %get3A_331 = arith.constant 32 : index
      %get3A_332 = tpu.vector_load %arg6[%get3A_330, %get3A_331] {strides = array<i32>} : memref<200x128xi32, #tpu.memory_space<vmem>>, vector<16xi32>,
      %gather3A_333 = tpu.vector_load_idx %arg5[%get3A_332] : memref<100096xf32, #tpu.memory_space<vmem>>[vector<16xi32>], vector<16xf32>,
      %add3A_334 = arith.addf %add3A_292, %gather3A_333 : vector<16xf32>
      %get3A_335 = arith.index_cast %scan3A_319 : i32 to index
      %get3A_336 = arith.constant 48 : index
      %get3A_337 = tpu.vector_load %arg6[%get3A_335, %get3A_336] {strides = array<i32>} : memref<200x128xi32, #tpu.memory_space<vmem>>, vector<16xi32>,
      %gather3A_338 = tpu.vector_load_idx %arg5[%get3A_337] : memref<100096xf32, #tpu.memory_space<vmem>>[vector<16xi32>], vector<16xf32>,
      %add3A_339 = arith.addf %add3A_297, %gather3A_338 : vector<16xf32>
      %get3A_340 = arith.index_cast %scan3A_319 : i32 to index
      %get3A_341 = arith.constant 64 : index
      %get3A_342 = tpu.vector_load %arg6[%get3A_340, %get3A_341] {strides = array<i32>} : memref<200x128xi32, #tpu.memory_space<vmem>>, vector<16xi32>,
      %gather3A_343 = tpu.vector_load_idx %arg5[%get3A_342] : memref<100096xf32, #tpu.memory_space<vmem>>[vector<16xi32>], vector<16xf32>,
      %add3A_344 = arith.addf %add3A_302, %gather3A_343 : vector<16xf32>
      %get3A_345 = arith.index_cast %scan3A_319 : i32 to index
      %get3A_346 = arith.constant 80 : index
      %get3A_347 = tpu.vector_load %arg6[%get3A_345, %get3A_346] {strides = array<i32>} : memref<200x128xi32, #tpu.memory_space<vmem>>, vector<16xi32>,
      %gather3A_348 = tpu.vector_load_idx %arg5[%get3A_347] : memref<100096xf32, #tpu.memory_space<vmem>>[vector<16xi32>], vector<16xf32>,
      %add3A_349 = arith.addf %add3A_307, %gather3A_348 : vector<16xf32>
      %get3A_350 = arith.index_cast %scan3A_319 : i32 to index
      %get3A_351 = arith.constant 96 : index
      %get3A_352 = tpu.vector_load %arg6[%get3A_350, %get3A_351] {strides = array<i32>} : memref<200x128xi32, #tpu.memory_space<vmem>>, vector<16xi32>,
      %gather3A_353 = tpu.vector_load_idx %arg5[%get3A_352] : memref<100096xf32, #tpu.memory_space<vmem>>[vector<16xi32>], vector<16xf32>,
      %add3A_354 = arith.addf %add3A_312, %gather3A_353 : vector<16xf32>
      %get3A_355 = arith.index_cast %scan3A_319 : i32 to index
      %get3A_356 = arith.constant 112 : index
      %get3A_357 = tpu.vector_load %arg6[%get3A_355, %get3A_356] {strides = array<i32>} : memref<200x128xi32, #tpu.memory_space<vmem>>, vector<16xi32>,
      %gather3A_358 = tpu.vector_load_idx %arg5[%get3A_357] : memref<100096xf32, #tpu.memory_space<vmem>>[vector<16xi32>], vector<16xf32>,
      %add3A_359 = arith.addf %add3A_317, %gather3A_358 : vector<16xf32>
      scf.yield %add3A_324, %add3A_329, %add3A_334, %add3A_339, %add3A_344, %add3A_349, %add3A_354, %add3A_359 : vector<16xf32>, vector<16xf32>, vector<16xf32>, vector<16xf32>, vector<16xf32>, vector<16xf32>, vector<16xf32>, vector<16xf32>
    }
    %scan3A_28 = arith.constant 200 : i32
    %mul3A_29 = arith.constant 5.000000e-03 : f32
    %mul3A_30 = vector.broadcast %mul3A_29 : f32 to vector<16xf32>
    %mul3A_31 = arith.mulf %scan3A_27#0, %mul3A_30 : vector<16xf32>
    %neg3A = arith.constant 0.000000e+00 : f32
    %neg3A_32 = vector.broadcast %neg3A : f32 to vector<16xf32>
    %neg3A_33 = arith.subf %neg3A_32, %mul3A_31 : vector<16xf32>
    %exp3A = math.exp %neg3A_33 : vector<16xf32>
    %add3A_34 = arith.constant 1.000000e+00 : f32
    %add3A_35 = vector.broadcast %add3A_34 : f32 to vector<16xf32>
    %add3A_36 = arith.addf %add3A_35, %exp3A : vector<16xf32>
    %div3A = arith.constant 1.000000e+00 : f32
    %div3A_37 = vector.broadcast %div3A : f32 to vector<16xf32>
    %div3A_38 = arith.divf %div3A_37, %add3A_36 : vector<16xf32>
    %swap3A = arith.constant 0 : index
    %swap3A_39 = tpu.vector_load %arg7[%swap3A] {strides = array<i32>} : memref<128xf32, #tpu.memory_space<vmem>>, vector<16xf32>,
    tpu.vector_store %arg7[%swap3A], %div3A_38 {strides = array<i32>} : memref<128xf32, #tpu.memory_space<vmem>>, vector<16xf32>,
    %mul3A_40 = arith.constant 5.000000e-03 : f32
    %mul3A_41 = vector.broadcast %mul3A_40 : f32 to vector<16xf32>
    %mul3A_42 = arith.mulf %scan3A_27#1, %mul3A_41 : vector<16xf32>
    %neg3A_43 = arith.constant 0.000000e+00 : f32
    %neg3A_44 = vector.broadcast %neg3A_43 : f32 to vector<16xf32>
    %neg3A_45 = arith.subf %neg3A_44, %mul3A_42 : vector<16xf32>
    %exp3A_46 = math.exp %neg3A_45 : vector<16xf32>
    %add3A_47 = arith.constant 1.000000e+00 : f32
    %add3A_48 = vector.broadcast %add3A_47 : f32 to vector<16xf32>
    %add3A_49 = arith.addf %add3A_48, %exp3A_46 : vector<16xf32>
    %div3A_50 = arith.constant 1.000000e+00 : f32
    %div3A_51 = vector.broadcast %div3A_50 : f32 to vector<16xf32>
    %div3A_52 = arith.divf %div3A_51, %add3A_49 : vector<16xf32>
    %swap3A_53 = arith.constant 16 : index
    %swap3A_54 = tpu.vector_load %arg7[%swap3A_53] {strides = array<i32>} : memref<128xf32, #tpu.memory_space<vmem>>, vector<16xf32>,
    tpu.vector_store %arg7[%swap3A_53], %div3A_52 {strides = array<i32>} : memref<128xf32, #tpu.memory_space<vmem>>, vector<16xf32>,
    %mul3A_55 = arith.constant 5.000000e-03 : f32
    %mul3A_56 = vector.broadcast %mul3A_55 : f32 to vector<16xf32>
    %mul3A_57 = arith.mulf %scan3A_27#2, %mul3A_56 : vector<16xf32>
    %neg3A_58 = arith.constant 0.000000e+00 : f32
    %neg3A_59 = vector.broadcast %neg3A_58 : f32 to vector<16xf32>
    %neg3A_60 = arith.subf %neg3A_59, %mul3A_57 : vector<16xf32>
    %exp3A_61 = math.exp %neg3A_60 : vector<16xf32>
    %add3A_62 = arith.constant 1.000000e+00 : f32
    %add3A_63 = vector.broadcast %add3A_62 : f32 to vector<16xf32>
    %add3A_64 = arith.addf %add3A_63, %exp3A_61 : vector<16xf32>
    %div3A_65 = arith.constant 1.000000e+00 : f32
    %div3A_66 = vector.broadcast %div3A_65 : f32 to vector<16xf32>
    %div3A_67 = arith.divf %div3A_66, %add3A_64 : vector<16xf32>
    %swap3A_68 = arith.constant 32 : index
    %swap3A_69 = tpu.vector_load %arg7[%swap3A_68] {strides = array<i32>} : memref<128xf32, #tpu.memory_space<vmem>>, vector<16xf32>,
    tpu.vector_store %arg7[%swap3A_68], %div3A_67 {strides = array<i32>} : memref<128xf32, #tpu.memory_space<vmem>>, vector<16xf32>,
    %mul3A_70 = arith.constant 5.000000e-03 : f32
    %mul3A_71 = vector.broadcast %mul3A_70 : f32 to vector<16xf32>
    %mul3A_72 = arith.mulf %scan3A_27#3, %mul3A_71 : vector<16xf32>
    %neg3A_73 = arith.constant 0.000000e+00 : f32
    %neg3A_74 = vector.broadcast %neg3A_73 : f32 to vector<16xf32>
    %neg3A_75 = arith.subf %neg3A_74, %mul3A_72 : vector<16xf32>
    %exp3A_76 = math.exp %neg3A_75 : vector<16xf32>
    %add3A_77 = arith.constant 1.000000e+00 : f32
    %add3A_78 = vector.broadcast %add3A_77 : f32 to vector<16xf32>
    %add3A_79 = arith.addf %add3A_78, %exp3A_76 : vector<16xf32>
    %div3A_80 = arith.constant 1.000000e+00 : f32
    %div3A_81 = vector.broadcast %div3A_80 : f32 to vector<16xf32>
    %div3A_82 = arith.divf %div3A_81, %add3A_79 : vector<16xf32>
    %swap3A_83 = arith.constant 48 : index
    %swap3A_84 = tpu.vector_load %arg7[%swap3A_83] {strides = array<i32>} : memref<128xf32, #tpu.memory_space<vmem>>, vector<16xf32>,
    tpu.vector_store %arg7[%swap3A_83], %div3A_82 {strides = array<i32>} : memref<128xf32, #tpu.memory_space<vmem>>, vector<16xf32>,
    %mul3A_85 = arith.constant 5.000000e-03 : f32
    %mul3A_86 = vector.broadcast %mul3A_85 : f32 to vector<16xf32>
    %mul3A_87 = arith.mulf %scan3A_27#4, %mul3A_86 : vector<16xf32>
    %neg3A_88 = arith.constant 0.000000e+00 : f32
    %neg3A_89 = vector.broadcast %neg3A_88 : f32 to vector<16xf32>
    %neg3A_90 = arith.subf %neg3A_89, %mul3A_87 : vector<16xf32>
    %exp3A_91 = math.exp %neg3A_90 : vector<16xf32>
    %add3A_92 = arith.constant 1.000000e+00 : f32
    %add3A_93 = vector.broadcast %add3A_92 : f32 to vector<16xf32>
    %add3A_94 = arith.addf %add3A_93, %exp3A_91 : vector<16xf32>
    %div3A_95 = arith.constant 1.000000e+00 : f32
    %div3A_96 = vector.broadcast %div3A_95 : f32 to vector<16xf32>
    %div3A_97 = arith.divf %div3A_96, %add3A_94 : vector<16xf32>
    %swap3A_98 = arith.constant 64 : index
    %swap3A_99 = tpu.vector_load %arg7[%swap3A_98] {strides = array<i32>} : memref<128xf32, #tpu.memory_space<vmem>>, vector<16xf32>,
    tpu.vector_store %arg7[%swap3A_98], %div3A_97 {strides = array<i32>} : memref<128xf32, #tpu.memory_space<vmem>>, vector<16xf32>,
    %mul3A_100 = arith.constant 5.000000e-03 : f32
    %mul3A_101 = vector.broadcast %mul3A_100 : f32 to vector<16xf32>
    %mul3A_102 = arith.mulf %scan3A_27#5, %mul3A_101 : vector<16xf32>
    %neg3A_103 = arith.constant 0.000000e+00 : f32
    %neg3A_104 = vector.broadcast %neg3A_103 : f32 to vector<16xf32>
    %neg3A_105 = arith.subf %neg3A_104, %mul3A_102 : vector<16xf32>
    %exp3A_106 = math.exp %neg3A_105 : vector<16xf32>
    %add3A_107 = arith.constant 1.000000e+00 : f32
    %add3A_108 = vector.broadcast %add3A_107 : f32 to vector<16xf32>
    %add3A_109 = arith.addf %add3A_108, %exp3A_106 : vector<16xf32>
    %div3A_110 = arith.constant 1.000000e+00 : f32
    %div3A_111 = vector.broadcast %div3A_110 : f32 to vector<16xf32>
    %div3A_112 = arith.divf %div3A_111, %add3A_109 : vector<16xf32>
    %swap3A_113 = arith.constant 80 : index
    %swap3A_114 = tpu.vector_load %arg7[%swap3A_113] {strides = array<i32>} : memref<128xf32, #tpu.memory_space<vmem>>, vector<16xf32>,
    tpu.vector_store %arg7[%swap3A_113], %div3A_112 {strides = array<i32>} : memref<128xf32, #tpu.memory_space<vmem>>, vector<16xf32>,
    %mul3A_115 = arith.constant 5.000000e-03 : f32
    %mul3A_116 = vector.broadcast %mul3A_115 : f32 to vector<16xf32>
    %mul3A_117 = arith.mulf %scan3A_27#6, %mul3A_116 : vector<16xf32>
    %neg3A_118 = arith.constant 0.000000e+00 : f32
    %neg3A_119 = vector.broadcast %neg3A_118 : f32 to vector<16xf32>
    %neg3A_120 = arith.subf %neg3A_119, %mul3A_117 : vector<16xf32>
    %exp3A_121 = math.exp %neg3A_120 : vector<16xf32>
    %add3A_122 = arith.constant 1.000000e+00 : f32
    %add3A_123 = vector.broadcast %add3A_122 : f32 to vector<16xf32>
    %add3A_124 = arith.addf %add3A_123, %exp3A_121 : vector<16xf32>
    %div3A_125 = arith.constant 1.000000e+00 : f32
    %div3A_126 = vector.broadcast %div3A_125 : f32 to vector<16xf32>
    %div3A_127 = arith.divf %div3A_126, %add3A_124 : vector<16xf32>
    %swap3A_128 = arith.constant 96 : index
    %swap3A_129 = tpu.vector_load %arg7[%swap3A_128] {strides = array<i32>} : memref<128xf32, #tpu.memory_space<vmem>>, vector<16xf32>,
    tpu.vector_store %arg7[%swap3A_128], %div3A_127 {strides = array<i32>} : memref<128xf32, #tpu.memory_space<vmem>>, vector<16xf32>,
    %mul3A_130 = arith.constant 5.000000e-03 : f32
    %mul3A_131 = vector.broadcast %mul3A_130 : f32 to vector<16xf32>
    %mul3A_132 = arith.mulf %scan3A_27#7, %mul3A_131 : vector<16xf32>
    %neg3A_133 = arith.constant 0.000000e+00 : f32
    %neg3A_134 = vector.broadcast %neg3A_133 : f32 to vector<16xf32>
    %neg3A_135 = arith.subf %neg3A_134, %mul3A_132 : vector<16xf32>
    %exp3A_136 = math.exp %neg3A_135 : vector<16xf32>
    %add3A_137 = arith.constant 1.000000e+00 : f32
    %add3A_138 = vector.broadcast %add3A_137 : f32 to vector<16xf32>
    %add3A_139 = arith.addf %add3A_138, %exp3A_136 : vector<16xf32>
    %div3A_140 = arith.constant 1.000000e+00 : f32
    %div3A_141 = vector.broadcast %div3A_140 : f32 to vector<16xf32>
    %div3A_142 = arith.divf %div3A_141, %add3A_139 : vector<16xf32>
    %swap3A_143 = arith.constant 112 : index
    %swap3A_144 = tpu.vector_load %arg7[%swap3A_143] {strides = array<i32>} : memref<128xf32, #tpu.memory_space<vmem>>, vector<16xf32>,
    tpu.vector_store %arg7[%swap3A_143], %div3A_142 {strides = array<i32>} : memref<128xf32, #tpu.memory_space<vmem>>, vector<16xf32>,
    "tpu.region"() ({
      %run_scoped3A = tpu.sem_alloc : memref<!tpu.dma_semaphore, #tpu.memory_space<semaphore_mem>>
      %dma_start3A_145 = tpu.memref_slice %arg4[%mul3A_2] : memref<4096xf32, #tpu.memory_space<hbm>> -> memref<128xf32, #tpu.memory_space<hbm>>
      %dma_start3A_146 = tpu.memref_slice %arg4[%mul3A_2] : memref<4096xf32, #tpu.memory_space<hbm>> -> memref<128xf32, #tpu.memory_space<hbm>>
      tpu.enqueue_dma source(%arg7 : memref<128xf32, #tpu.memory_space<vmem>>) target(%dma_start3A_146 : memref<128xf32, #tpu.memory_space<hbm>>) target_semaphore(%run_scoped3A : memref<!tpu.dma_semaphore, #tpu.memory_space<semaphore_mem>>)
      %dma_wait3A_147 = tpu.memref_slice %arg4[%mul3A_2] : memref<4096xf32, #tpu.memory_space<hbm>> -> memref<128xf32, #tpu.memory_space<hbm>>
      %dma_wait3A_148 = tpu.memref_slice %arg4[%mul3A_2] : memref<4096xf32, #tpu.memory_space<hbm>> -> memref<128xf32, #tpu.memory_space<hbm>>
      tpu.wait_dma2 semaphore(%run_scoped3A : memref<!tpu.dma_semaphore, #tpu.memory_space<semaphore_mem>>) src(%arg7 : memref<128xf32, #tpu.memory_space<vmem>>) dst(%dma_wait3A_148 : memref<128xf32, #tpu.memory_space<hbm>>)
      tpu.yield
    }) : () -> ()
    return
  }
}

module attributes {stable_mosaic.version = 14 : i64} {
  func.func @_proj_body(%arg0: memref<64x100000xf32, #tpu.memory_space<any>>, %arg1: memref<1x64xf32, #tpu.memory_space<vmem>>, %arg2: memref<32x64xf32, #tpu.memory_space<vmem>>, %arg3: memref<1x1xf32, #tpu.memory_space<vmem>>, %arg4: memref<100096xf32, #tpu.memory_space<any>>, %arg5: memref<64x4096xf32, #tpu.memory_space<vmem>>, %arg6: memref<64x4096xf32, #tpu.memory_space<vmem>>, %arg7: memref<64x4096xf32, #tpu.memory_space<vmem>>, %arg8: memref<64x4096xf32, #tpu.memory_space<vmem>>, %arg9: memref<64x4096xf32, #tpu.memory_space<vmem>>, %arg10: memref<64x4096xf32, #tpu.memory_space<vmem>>, %arg11: memref<64x4096xf32, #tpu.memory_space<vmem>>, %arg12: memref<64x4096xf32, #tpu.memory_space<vmem>>, %arg13: memref<64x4096xf32, #tpu.memory_space<vmem>>, %arg14: memref<64x4096xf32, #tpu.memory_space<vmem>>, %arg15: memref<64x4096xf32, #tpu.memory_space<vmem>>, %arg16: memref<64x4096xf32, #tpu.memory_space<vmem>>, %arg17: memref<1x4096xf32, #tpu.memory_space<vmem>>, %arg18: memref<1x4096xf32, #tpu.memory_space<vmem>>, %arg19: memref<1x4096xf32, #tpu.memory_space<vmem>>, %arg20: memref<1x4096xf32, #tpu.memory_space<vmem>>, %arg21: memref<1x4096xf32, #tpu.memory_space<vmem>>, %arg22: memref<1x4096xf32, #tpu.memory_space<vmem>>, %arg23: memref<1x4096xf32, #tpu.memory_space<vmem>>, %arg24: memref<1x4096xf32, #tpu.memory_space<vmem>>, %arg25: memref<1x4096xf32, #tpu.memory_space<vmem>>, %arg26: memref<1x4096xf32, #tpu.memory_space<vmem>>, %arg27: memref<1x4096xf32, #tpu.memory_space<vmem>>, %arg28: memref<1x4096xf32, #tpu.memory_space<vmem>>, %arg29: memref<!tpu.dma_semaphore, #tpu.memory_space<semaphore_mem>>, %arg30: memref<!tpu.dma_semaphore, #tpu.memory_space<semaphore_mem>>, %arg31: memref<!tpu.dma_semaphore, #tpu.memory_space<semaphore_mem>>, %arg32: memref<!tpu.dma_semaphore, #tpu.memory_space<semaphore_mem>>, %arg33: memref<!tpu.dma_semaphore, #tpu.memory_space<semaphore_mem>>, %arg34: memref<!tpu.dma_semaphore, #tpu.memory_space<semaphore_mem>>, %arg35: memref<!tpu.dma_semaphore, #tpu.memory_space<semaphore_mem>>, %arg36: memref<!tpu.dma_semaphore, #tpu.memory_space<semaphore_mem>>, %arg37: memref<!tpu.dma_semaphore, #tpu.memory_space<semaphore_mem>>, %arg38: memref<!tpu.dma_semaphore, #tpu.memory_space<semaphore_mem>>, %arg39: memref<!tpu.dma_semaphore, #tpu.memory_space<semaphore_mem>>, %arg40: memref<!tpu.dma_semaphore, #tpu.memory_space<semaphore_mem>>, %arg41: memref<!tpu.dma_semaphore, #tpu.memory_space<semaphore_mem>>, %arg42: memref<!tpu.dma_semaphore, #tpu.memory_space<semaphore_mem>>, %arg43: memref<!tpu.dma_semaphore, #tpu.memory_space<semaphore_mem>>, %arg44: memref<!tpu.dma_semaphore, #tpu.memory_space<semaphore_mem>>, %arg45: memref<!tpu.dma_semaphore, #tpu.memory_space<semaphore_mem>>, %arg46: memref<!tpu.dma_semaphore, #tpu.memory_space<semaphore_mem>>, %arg47: memref<!tpu.dma_semaphore, #tpu.memory_space<semaphore_mem>>, %arg48: memref<!tpu.dma_semaphore, #tpu.memory_space<semaphore_mem>>, %arg49: memref<!tpu.dma_semaphore, #tpu.memory_space<semaphore_mem>>, %arg50: memref<!tpu.dma_semaphore, #tpu.memory_space<semaphore_mem>>, %arg51: memref<!tpu.dma_semaphore, #tpu.memory_space<semaphore_mem>>, %arg52: memref<!tpu.dma_semaphore, #tpu.memory_space<semaphore_mem>>) attributes {dimension_semantics = [], scalar_prefetch = 0 : i64, scratch_operands = 48 : i64, tpu.core_type = #tpu.core_type<tc>} {
    %dma_start3A = arith.constant 0 : i32
    %dma_start3A_0 = arith.constant 0 : i32
    %dma_start3A_1 = tpu.memref_slice %arg0[%dma_start3A, %dma_start3A_0] : memref<64x100000xf32, #tpu.memory_space<any>> -> memref<64x4096xf32, #tpu.memory_space<any>>
    tpu.enqueue_dma source(%dma_start3A_1 : memref<64x4096xf32, #tpu.memory_space<any>>) target(%arg5 : memref<64x4096xf32, #tpu.memory_space<vmem>>) target_semaphore(%arg29 : memref<!tpu.dma_semaphore, #tpu.memory_space<semaphore_mem>>)
    %dma_start3A_2 = arith.constant 0 : i32
    %dma_start3A_3 = arith.constant 4096 : i32
    %dma_start3A_4 = tpu.memref_slice %arg0[%dma_start3A_2, %dma_start3A_3] : memref<64x100000xf32, #tpu.memory_space<any>> -> memref<64x4096xf32, #tpu.memory_space<any>>
    tpu.enqueue_dma source(%dma_start3A_4 : memref<64x4096xf32, #tpu.memory_space<any>>) target(%arg6 : memref<64x4096xf32, #tpu.memory_space<vmem>>) target_semaphore(%arg30 : memref<!tpu.dma_semaphore, #tpu.memory_space<semaphore_mem>>)
    %dma_start3A_5 = arith.constant 0 : i32
    %dma_start3A_6 = arith.constant 8192 : i32
    %dma_start3A_7 = tpu.memref_slice %arg0[%dma_start3A_5, %dma_start3A_6] : memref<64x100000xf32, #tpu.memory_space<any>> -> memref<64x4096xf32, #tpu.memory_space<any>>
    tpu.enqueue_dma source(%dma_start3A_7 : memref<64x4096xf32, #tpu.memory_space<any>>) target(%arg7 : memref<64x4096xf32, #tpu.memory_space<vmem>>) target_semaphore(%arg31 : memref<!tpu.dma_semaphore, #tpu.memory_space<semaphore_mem>>)
    %dma_start3A_8 = arith.constant 0 : i32
    %dma_start3A_9 = arith.constant 12288 : i32
    %dma_start3A_10 = tpu.memref_slice %arg0[%dma_start3A_8, %dma_start3A_9] : memref<64x100000xf32, #tpu.memory_space<any>> -> memref<64x4096xf32, #tpu.memory_space<any>>
    tpu.enqueue_dma source(%dma_start3A_10 : memref<64x4096xf32, #tpu.memory_space<any>>) target(%arg8 : memref<64x4096xf32, #tpu.memory_space<vmem>>) target_semaphore(%arg32 : memref<!tpu.dma_semaphore, #tpu.memory_space<semaphore_mem>>)
    %dma_start3A_11 = arith.constant 0 : i32
    %dma_start3A_12 = arith.constant 16384 : i32
    %dma_start3A_13 = tpu.memref_slice %arg0[%dma_start3A_11, %dma_start3A_12] : memref<64x100000xf32, #tpu.memory_space<any>> -> memref<64x4096xf32, #tpu.memory_space<any>>
    tpu.enqueue_dma source(%dma_start3A_13 : memref<64x4096xf32, #tpu.memory_space<any>>) target(%arg9 : memref<64x4096xf32, #tpu.memory_space<vmem>>) target_semaphore(%arg33 : memref<!tpu.dma_semaphore, #tpu.memory_space<semaphore_mem>>)
    %dma_start3A_14 = arith.constant 0 : i32
    %dma_start3A_15 = arith.constant 20480 : i32
    %dma_start3A_16 = tpu.memref_slice %arg0[%dma_start3A_14, %dma_start3A_15] : memref<64x100000xf32, #tpu.memory_space<any>> -> memref<64x4096xf32, #tpu.memory_space<any>>
    tpu.enqueue_dma source(%dma_start3A_16 : memref<64x4096xf32, #tpu.memory_space<any>>) target(%arg10 : memref<64x4096xf32, #tpu.memory_space<vmem>>) target_semaphore(%arg34 : memref<!tpu.dma_semaphore, #tpu.memory_space<semaphore_mem>>)
    %dma_start3A_17 = arith.constant 0 : i32
    %dma_start3A_18 = arith.constant 24576 : i32
    %dma_start3A_19 = tpu.memref_slice %arg0[%dma_start3A_17, %dma_start3A_18] : memref<64x100000xf32, #tpu.memory_space<any>> -> memref<64x4096xf32, #tpu.memory_space<any>>
    tpu.enqueue_dma source(%dma_start3A_19 : memref<64x4096xf32, #tpu.memory_space<any>>) target(%arg11 : memref<64x4096xf32, #tpu.memory_space<vmem>>) target_semaphore(%arg35 : memref<!tpu.dma_semaphore, #tpu.memory_space<semaphore_mem>>)
    %dma_start3A_20 = arith.constant 0 : i32
    %dma_start3A_21 = arith.constant 28672 : i32
    %dma_start3A_22 = tpu.memref_slice %arg0[%dma_start3A_20, %dma_start3A_21] : memref<64x100000xf32, #tpu.memory_space<any>> -> memref<64x4096xf32, #tpu.memory_space<any>>
    tpu.enqueue_dma source(%dma_start3A_22 : memref<64x4096xf32, #tpu.memory_space<any>>) target(%arg12 : memref<64x4096xf32, #tpu.memory_space<vmem>>) target_semaphore(%arg36 : memref<!tpu.dma_semaphore, #tpu.memory_space<semaphore_mem>>)
    %dma_start3A_23 = arith.constant 0 : i32
    %dma_start3A_24 = arith.constant 32768 : i32
    %dma_start3A_25 = tpu.memref_slice %arg0[%dma_start3A_23, %dma_start3A_24] : memref<64x100000xf32, #tpu.memory_space<any>> -> memref<64x4096xf32, #tpu.memory_space<any>>
    tpu.enqueue_dma source(%dma_start3A_25 : memref<64x4096xf32, #tpu.memory_space<any>>) target(%arg13 : memref<64x4096xf32, #tpu.memory_space<vmem>>) target_semaphore(%arg37 : memref<!tpu.dma_semaphore, #tpu.memory_space<semaphore_mem>>)
    %dma_start3A_26 = arith.constant 0 : i32
    %dma_start3A_27 = arith.constant 36864 : i32
    %dma_start3A_28 = tpu.memref_slice %arg0[%dma_start3A_26, %dma_start3A_27] : memref<64x100000xf32, #tpu.memory_space<any>> -> memref<64x4096xf32, #tpu.memory_space<any>>
    tpu.enqueue_dma source(%dma_start3A_28 : memref<64x4096xf32, #tpu.memory_space<any>>) target(%arg14 : memref<64x4096xf32, #tpu.memory_space<vmem>>) target_semaphore(%arg38 : memref<!tpu.dma_semaphore, #tpu.memory_space<semaphore_mem>>)
    %dma_start3A_29 = arith.constant 0 : i32
    %dma_start3A_30 = arith.constant 40960 : i32
    %dma_start3A_31 = tpu.memref_slice %arg0[%dma_start3A_29, %dma_start3A_30] : memref<64x100000xf32, #tpu.memory_space<any>> -> memref<64x4096xf32, #tpu.memory_space<any>>
    tpu.enqueue_dma source(%dma_start3A_31 : memref<64x4096xf32, #tpu.memory_space<any>>) target(%arg15 : memref<64x4096xf32, #tpu.memory_space<vmem>>) target_semaphore(%arg39 : memref<!tpu.dma_semaphore, #tpu.memory_space<semaphore_mem>>)
    %dma_start3A_32 = arith.constant 0 : i32
    %dma_start3A_33 = arith.constant 45056 : i32
    %dma_start3A_34 = tpu.memref_slice %arg0[%dma_start3A_32, %dma_start3A_33] : memref<64x100000xf32, #tpu.memory_space<any>> -> memref<64x4096xf32, #tpu.memory_space<any>>
    tpu.enqueue_dma source(%dma_start3A_34 : memref<64x4096xf32, #tpu.memory_space<any>>) target(%arg16 : memref<64x4096xf32, #tpu.memory_space<vmem>>) target_semaphore(%arg40 : memref<!tpu.dma_semaphore, #tpu.memory_space<semaphore_mem>>)
    %dma_wait3A = arith.constant 0 : i32
    %dma_wait3A_35 = arith.constant 0 : i32
    %dma_wait3A_36 = tpu.memref_slice %arg0[%dma_wait3A, %dma_wait3A_35] : memref<64x100000xf32, #tpu.memory_space<any>> -> memref<64x4096xf32, #tpu.memory_space<any>>
    tpu.wait_dma2 semaphore(%arg29 : memref<!tpu.dma_semaphore, #tpu.memory_space<semaphore_mem>>) src(%dma_wait3A_36 : memref<64x4096xf32, #tpu.memory_space<any>>) dst(%arg5 : memref<64x4096xf32, #tpu.memory_space<vmem>>)
    %get3A = arith.constant 0 : index
    %get3A_37 = arith.constant 0 : index
    %get3A_38 = vector.load %arg1[%get3A, %get3A_37] : memref<1x64xf32, #tpu.memory_space<vmem>>, vector<1x64xf32>
    %get3A_39 = arith.constant 0 : index
    %get3A_40 = arith.constant 0 : index
    %get3A_41 = vector.load %arg5[%get3A_39, %get3A_40] : memref<64x4096xf32, #tpu.memory_space<vmem>>, vector<64x4096xf32>
    %dot_general3A = arith.constant dense<0.000000e+00> : vector<1x4096xf32>
    %dot_general3A_42 = tpu.matmul %get3A_38, %get3A_41, %dot_general3A {dimension_numbers = #tpu.dot_dimension_numbers<[1], [0], [0], [1], [0, 0, 1, 1], [], []>, transpose_lhs_hint = false} : vector<1x64xf32>, vector<64x4096xf32>, vector<1x4096xf32> -> vector<1x4096xf32>
    %iota3A = tpu.iota {dimensions = array<i32: 1>} : vector<1x4096xi32>
    %eq3A = arith.constant 0 : i32
    %eq3A_43 = vector.broadcast %eq3A : i32 to vector<1x4096xi32>
    %eq3A_44 = arith.cmpi eq, %iota3A, %eq3A_43 : vector<1x4096xi32>
    %jit3A = arith.constant 0.000000e+00 : f32
    %broadcast_in_dim3A = vector.broadcast %jit3A : f32 to vector<1x4096xf32>
    %select_n3A = arith.select %eq3A_44, %broadcast_in_dim3A, %dot_general3A_42 : vector<1x4096xi1>, vector<1x4096xf32>
    %dma_start3A_45 = arith.constant 0 : i32
    %dma_start3A_46 = arith.constant 49152 : i32
    %dma_start3A_47 = tpu.memref_slice %arg0[%dma_start3A_45, %dma_start3A_46] : memref<64x100000xf32, #tpu.memory_space<any>> -> memref<64x4096xf32, #tpu.memory_space<any>>
    tpu.enqueue_dma source(%dma_start3A_47 : memref<64x4096xf32, #tpu.memory_space<any>>) target(%arg5 : memref<64x4096xf32, #tpu.memory_space<vmem>>) target_semaphore(%arg29 : memref<!tpu.dma_semaphore, #tpu.memory_space<semaphore_mem>>)
    %get3A_48 = arith.constant 0 : index
    %get3A_49 = arith.constant 0 : index
    %get3A_50 = vector.load %arg3[%get3A_48, %get3A_49] : memref<1x1xf32, #tpu.memory_space<vmem>>, vector<1x1xf32>
    %get3A_51 = vector.extract %get3A_50[0, 0] : f32 from vector<1x1xf32>
    %add3A = vector.broadcast %get3A_51 : f32 to vector<1x4096xf32>
    %add3A_52 = arith.addf %select_n3A, %add3A : vector<1x4096xf32>
    %swap3A = arith.constant 0 : index
    %swap3A_53 = arith.constant 0 : index
    %swap3A_54 = vector.load %arg17[%swap3A, %swap3A_53] : memref<1x4096xf32, #tpu.memory_space<vmem>>, vector<1x4096xf32>
    tpu.vector_store %arg17[%swap3A, %swap3A_53], %add3A_52 {strides = array<i32>} : memref<1x4096xf32, #tpu.memory_space<vmem>>, vector<1x4096xf32>,
    %dma_start3A_55 = arith.constant 0 : i32
    %dma_start3A_56 = arith.constant 0 : i32
    %dma_start3A_57 = tpu.memref_slice %arg4[%dma_start3A_56] : memref<100096xf32, #tpu.memory_space<any>> -> memref<4096xf32, #tpu.memory_space<any>>
    %dma_start3A_58 = arith.constant 0 : i32
    %dma_start3A_59 = tpu.memref_slice %arg17[%dma_start3A_55, %dma_start3A_58] : memref<1x4096xf32, #tpu.memory_space<vmem>> -> memref<1x4096xf32, #tpu.memory_space<vmem>>
    %dma_start3A_60 = tpu.memref_squeeze %dma_start3A_59 : memref<1x4096xf32, #tpu.memory_space<vmem>> -> memref<4096xf32, #tpu.memory_space<vmem>>
    tpu.enqueue_dma source(%dma_start3A_60 : memref<4096xf32, #tpu.memory_space<vmem>>) target(%dma_start3A_57 : memref<4096xf32, #tpu.memory_space<any>>) target_semaphore(%arg41 : memref<!tpu.dma_semaphore, #tpu.memory_space<semaphore_mem>>)
    %dma_wait3A_61 = arith.constant 0 : i32
    %dma_wait3A_62 = arith.constant 4096 : i32
    %dma_wait3A_63 = tpu.memref_slice %arg0[%dma_wait3A_61, %dma_wait3A_62] : memref<64x100000xf32, #tpu.memory_space<any>> -> memref<64x4096xf32, #tpu.memory_space<any>>
    tpu.wait_dma2 semaphore(%arg30 : memref<!tpu.dma_semaphore, #tpu.memory_space<semaphore_mem>>) src(%dma_wait3A_63 : memref<64x4096xf32, #tpu.memory_space<any>>) dst(%arg6 : memref<64x4096xf32, #tpu.memory_space<vmem>>)
    %get3A_64 = arith.constant 0 : index
    %get3A_65 = arith.constant 0 : index
    %get3A_66 = vector.load %arg1[%get3A_64, %get3A_65] : memref<1x64xf32, #tpu.memory_space<vmem>>, vector<1x64xf32>
    %get3A_67 = arith.constant 0 : index
    %get3A_68 = arith.constant 0 : index
    %get3A_69 = vector.load %arg6[%get3A_67, %get3A_68] : memref<64x4096xf32, #tpu.memory_space<vmem>>, vector<64x4096xf32>
    %dot_general3A_70 = arith.constant dense<0.000000e+00> : vector<1x4096xf32>
    %dot_general3A_71 = tpu.matmul %get3A_66, %get3A_69, %dot_general3A_70 {dimension_numbers = #tpu.dot_dimension_numbers<[1], [0], [0], [1], [0, 0, 1, 1], [], []>, transpose_lhs_hint = false} : vector<1x64xf32>, vector<64x4096xf32>, vector<1x4096xf32> -> vector<1x4096xf32>
    %dma_start3A_72 = arith.constant 0 : i32
    %dma_start3A_73 = arith.constant 53248 : i32
    %dma_start3A_74 = tpu.memref_slice %arg0[%dma_start3A_72, %dma_start3A_73] : memref<64x100000xf32, #tpu.memory_space<any>> -> memref<64x4096xf32, #tpu.memory_space<any>>
    tpu.enqueue_dma source(%dma_start3A_74 : memref<64x4096xf32, #tpu.memory_space<any>>) target(%arg6 : memref<64x4096xf32, #tpu.memory_space<vmem>>) target_semaphore(%arg30 : memref<!tpu.dma_semaphore, #tpu.memory_space<semaphore_mem>>)
    %get3A_75 = arith.constant 0 : index
    %get3A_76 = arith.constant 0 : index
    %get3A_77 = vector.load %arg3[%get3A_75, %get3A_76] : memref<1x1xf32, #tpu.memory_space<vmem>>, vector<1x1xf32>
    %get3A_78 = vector.extract %get3A_77[0, 0] : f32 from vector<1x1xf32>
    %add3A_79 = vector.broadcast %get3A_78 : f32 to vector<1x4096xf32>
    %add3A_80 = arith.addf %dot_general3A_71, %add3A_79 : vector<1x4096xf32>
    %swap3A_81 = arith.constant 0 : index
    %swap3A_82 = arith.constant 0 : index
    %swap3A_83 = vector.load %arg18[%swap3A_81, %swap3A_82] : memref<1x4096xf32, #tpu.memory_space<vmem>>, vector<1x4096xf32>
    tpu.vector_store %arg18[%swap3A_81, %swap3A_82], %add3A_80 {strides = array<i32>} : memref<1x4096xf32, #tpu.memory_space<vmem>>, vector<1x4096xf32>,
    %dma_start3A_84 = arith.constant 0 : i32
    %dma_start3A_85 = arith.constant 4096 : i32
    %dma_start3A_86 = tpu.memref_slice %arg4[%dma_start3A_85] : memref<100096xf32, #tpu.memory_space<any>> -> memref<4096xf32, #tpu.memory_space<any>>
    %dma_start3A_87 = arith.constant 0 : i32
    %dma_start3A_88 = tpu.memref_slice %arg18[%dma_start3A_84, %dma_start3A_87] : memref<1x4096xf32, #tpu.memory_space<vmem>> -> memref<1x4096xf32, #tpu.memory_space<vmem>>
    %dma_start3A_89 = tpu.memref_squeeze %dma_start3A_88 : memref<1x4096xf32, #tpu.memory_space<vmem>> -> memref<4096xf32, #tpu.memory_space<vmem>>
    tpu.enqueue_dma source(%dma_start3A_89 : memref<4096xf32, #tpu.memory_space<vmem>>) target(%dma_start3A_86 : memref<4096xf32, #tpu.memory_space<any>>) target_semaphore(%arg42 : memref<!tpu.dma_semaphore, #tpu.memory_space<semaphore_mem>>)
    %dma_wait3A_90 = arith.constant 0 : i32
    %dma_wait3A_91 = arith.constant 8192 : i32
    %dma_wait3A_92 = tpu.memref_slice %arg0[%dma_wait3A_90, %dma_wait3A_91] : memref<64x100000xf32, #tpu.memory_space<any>> -> memref<64x4096xf32, #tpu.memory_space<any>>
    tpu.wait_dma2 semaphore(%arg31 : memref<!tpu.dma_semaphore, #tpu.memory_space<semaphore_mem>>) src(%dma_wait3A_92 : memref<64x4096xf32, #tpu.memory_space<any>>) dst(%arg7 : memref<64x4096xf32, #tpu.memory_space<vmem>>)
    %get3A_93 = arith.constant 0 : index
    %get3A_94 = arith.constant 0 : index
    %get3A_95 = vector.load %arg1[%get3A_93, %get3A_94] : memref<1x64xf32, #tpu.memory_space<vmem>>, vector<1x64xf32>
    %get3A_96 = arith.constant 0 : index
    %get3A_97 = arith.constant 0 : index
    %get3A_98 = vector.load %arg7[%get3A_96, %get3A_97] : memref<64x4096xf32, #tpu.memory_space<vmem>>, vector<64x4096xf32>
    %dot_general3A_99 = arith.constant dense<0.000000e+00> : vector<1x4096xf32>
    %dot_general3A_100 = tpu.matmul %get3A_95, %get3A_98, %dot_general3A_99 {dimension_numbers = #tpu.dot_dimension_numbers<[1], [0], [0], [1], [0, 0, 1, 1], [], []>, transpose_lhs_hint = false} : vector<1x64xf32>, vector<64x4096xf32>, vector<1x4096xf32> -> vector<1x4096xf32>
    %dma_start3A_101 = arith.constant 0 : i32
    %dma_start3A_102 = arith.constant 57344 : i32
    %dma_start3A_103 = tpu.memref_slice %arg0[%dma_start3A_101, %dma_start3A_102] : memref<64x100000xf32, #tpu.memory_space<any>> -> memref<64x4096xf32, #tpu.memory_space<any>>
    tpu.enqueue_dma source(%dma_start3A_103 : memref<64x4096xf32, #tpu.memory_space<any>>) target(%arg7 : memref<64x4096xf32, #tpu.memory_space<vmem>>) target_semaphore(%arg31 : memref<!tpu.dma_semaphore, #tpu.memory_space<semaphore_mem>>)
    %get3A_104 = arith.constant 0 : index
    %get3A_105 = arith.constant 0 : index
    %get3A_106 = vector.load %arg3[%get3A_104, %get3A_105] : memref<1x1xf32, #tpu.memory_space<vmem>>, vector<1x1xf32>
    %get3A_107 = vector.extract %get3A_106[0, 0] : f32 from vector<1x1xf32>
    %add3A_108 = vector.broadcast %get3A_107 : f32 to vector<1x4096xf32>
    %add3A_109 = arith.addf %dot_general3A_100, %add3A_108 : vector<1x4096xf32>
    %swap3A_110 = arith.constant 0 : index
    %swap3A_111 = arith.constant 0 : index
    %swap3A_112 = vector.load %arg19[%swap3A_110, %swap3A_111] : memref<1x4096xf32, #tpu.memory_space<vmem>>, vector<1x4096xf32>
    tpu.vector_store %arg19[%swap3A_110, %swap3A_111], %add3A_109 {strides = array<i32>} : memref<1x4096xf32, #tpu.memory_space<vmem>>, vector<1x4096xf32>,
    %dma_start3A_113 = arith.constant 0 : i32
    %dma_start3A_114 = arith.constant 8192 : i32
    %dma_start3A_115 = tpu.memref_slice %arg4[%dma_start3A_114] : memref<100096xf32, #tpu.memory_space<any>> -> memref<4096xf32, #tpu.memory_space<any>>
    %dma_start3A_116 = arith.constant 0 : i32
    %dma_start3A_117 = tpu.memref_slice %arg19[%dma_start3A_113, %dma_start3A_116] : memref<1x4096xf32, #tpu.memory_space<vmem>> -> memref<1x4096xf32, #tpu.memory_space<vmem>>
    %dma_start3A_118 = tpu.memref_squeeze %dma_start3A_117 : memref<1x4096xf32, #tpu.memory_space<vmem>> -> memref<4096xf32, #tpu.memory_space<vmem>>
    tpu.enqueue_dma source(%dma_start3A_118 : memref<4096xf32, #tpu.memory_space<vmem>>) target(%dma_start3A_115 : memref<4096xf32, #tpu.memory_space<any>>) target_semaphore(%arg43 : memref<!tpu.dma_semaphore, #tpu.memory_space<semaphore_mem>>)
    %dma_wait3A_119 = arith.constant 0 : i32
    %dma_wait3A_120 = arith.constant 12288 : i32
    %dma_wait3A_121 = tpu.memref_slice %arg0[%dma_wait3A_119, %dma_wait3A_120] : memref<64x100000xf32, #tpu.memory_space<any>> -> memref<64x4096xf32, #tpu.memory_space<any>>
    tpu.wait_dma2 semaphore(%arg32 : memref<!tpu.dma_semaphore, #tpu.memory_space<semaphore_mem>>) src(%dma_wait3A_121 : memref<64x4096xf32, #tpu.memory_space<any>>) dst(%arg8 : memref<64x4096xf32, #tpu.memory_space<vmem>>)
    %get3A_122 = arith.constant 0 : index
    %get3A_123 = arith.constant 0 : index
    %get3A_124 = vector.load %arg1[%get3A_122, %get3A_123] : memref<1x64xf32, #tpu.memory_space<vmem>>, vector<1x64xf32>
    %get3A_125 = arith.constant 0 : index
    %get3A_126 = arith.constant 0 : index
    %get3A_127 = vector.load %arg8[%get3A_125, %get3A_126] : memref<64x4096xf32, #tpu.memory_space<vmem>>, vector<64x4096xf32>
    %dot_general3A_128 = arith.constant dense<0.000000e+00> : vector<1x4096xf32>
    %dot_general3A_129 = tpu.matmul %get3A_124, %get3A_127, %dot_general3A_128 {dimension_numbers = #tpu.dot_dimension_numbers<[1], [0], [0], [1], [0, 0, 1, 1], [], []>, transpose_lhs_hint = false} : vector<1x64xf32>, vector<64x4096xf32>, vector<1x4096xf32> -> vector<1x4096xf32>
    %dma_start3A_130 = arith.constant 0 : i32
    %dma_start3A_131 = arith.constant 61440 : i32
    %dma_start3A_132 = tpu.memref_slice %arg0[%dma_start3A_130, %dma_start3A_131] : memref<64x100000xf32, #tpu.memory_space<any>> -> memref<64x4096xf32, #tpu.memory_space<any>>
    tpu.enqueue_dma source(%dma_start3A_132 : memref<64x4096xf32, #tpu.memory_space<any>>) target(%arg8 : memref<64x4096xf32, #tpu.memory_space<vmem>>) target_semaphore(%arg32 : memref<!tpu.dma_semaphore, #tpu.memory_space<semaphore_mem>>)
    %get3A_133 = arith.constant 0 : index
    %get3A_134 = arith.constant 0 : index
    %get3A_135 = vector.load %arg3[%get3A_133, %get3A_134] : memref<1x1xf32, #tpu.memory_space<vmem>>, vector<1x1xf32>
    %get3A_136 = vector.extract %get3A_135[0, 0] : f32 from vector<1x1xf32>
    %add3A_137 = vector.broadcast %get3A_136 : f32 to vector<1x4096xf32>
    %add3A_138 = arith.addf %dot_general3A_129, %add3A_137 : vector<1x4096xf32>
    %swap3A_139 = arith.constant 0 : index
    %swap3A_140 = arith.constant 0 : index
    %swap3A_141 = vector.load %arg20[%swap3A_139, %swap3A_140] : memref<1x4096xf32, #tpu.memory_space<vmem>>, vector<1x4096xf32>
    tpu.vector_store %arg20[%swap3A_139, %swap3A_140], %add3A_138 {strides = array<i32>} : memref<1x4096xf32, #tpu.memory_space<vmem>>, vector<1x4096xf32>,
    %dma_start3A_142 = arith.constant 0 : i32
    %dma_start3A_143 = arith.constant 12288 : i32
    %dma_start3A_144 = tpu.memref_slice %arg4[%dma_start3A_143] : memref<100096xf32, #tpu.memory_space<any>> -> memref<4096xf32, #tpu.memory_space<any>>
    %dma_start3A_145 = arith.constant 0 : i32
    %dma_start3A_146 = tpu.memref_slice %arg20[%dma_start3A_142, %dma_start3A_145] : memref<1x4096xf32, #tpu.memory_space<vmem>> -> memref<1x4096xf32, #tpu.memory_space<vmem>>
    %dma_start3A_147 = tpu.memref_squeeze %dma_start3A_146 : memref<1x4096xf32, #tpu.memory_space<vmem>> -> memref<4096xf32, #tpu.memory_space<vmem>>
    tpu.enqueue_dma source(%dma_start3A_147 : memref<4096xf32, #tpu.memory_space<vmem>>) target(%dma_start3A_144 : memref<4096xf32, #tpu.memory_space<any>>) target_semaphore(%arg44 : memref<!tpu.dma_semaphore, #tpu.memory_space<semaphore_mem>>)
    %dma_wait3A_148 = arith.constant 0 : i32
    %dma_wait3A_149 = arith.constant 16384 : i32
    %dma_wait3A_150 = tpu.memref_slice %arg0[%dma_wait3A_148, %dma_wait3A_149] : memref<64x100000xf32, #tpu.memory_space<any>> -> memref<64x4096xf32, #tpu.memory_space<any>>
    tpu.wait_dma2 semaphore(%arg33 : memref<!tpu.dma_semaphore, #tpu.memory_space<semaphore_mem>>) src(%dma_wait3A_150 : memref<64x4096xf32, #tpu.memory_space<any>>) dst(%arg9 : memref<64x4096xf32, #tpu.memory_space<vmem>>)
    %get3A_151 = arith.constant 0 : index
    %get3A_152 = arith.constant 0 : index
    %get3A_153 = vector.load %arg1[%get3A_151, %get3A_152] : memref<1x64xf32, #tpu.memory_space<vmem>>, vector<1x64xf32>
    %get3A_154 = arith.constant 0 : index
    %get3A_155 = arith.constant 0 : index
    %get3A_156 = vector.load %arg9[%get3A_154, %get3A_155] : memref<64x4096xf32, #tpu.memory_space<vmem>>, vector<64x4096xf32>
    %dot_general3A_157 = arith.constant dense<0.000000e+00> : vector<1x4096xf32>
    %dot_general3A_158 = tpu.matmul %get3A_153, %get3A_156, %dot_general3A_157 {dimension_numbers = #tpu.dot_dimension_numbers<[1], [0], [0], [1], [0, 0, 1, 1], [], []>, transpose_lhs_hint = false} : vector<1x64xf32>, vector<64x4096xf32>, vector<1x4096xf32> -> vector<1x4096xf32>
    %dma_start3A_159 = arith.constant 0 : i32
    %dma_start3A_160 = arith.constant 65536 : i32
    %dma_start3A_161 = tpu.memref_slice %arg0[%dma_start3A_159, %dma_start3A_160] : memref<64x100000xf32, #tpu.memory_space<any>> -> memref<64x4096xf32, #tpu.memory_space<any>>
    tpu.enqueue_dma source(%dma_start3A_161 : memref<64x4096xf32, #tpu.memory_space<any>>) target(%arg9 : memref<64x4096xf32, #tpu.memory_space<vmem>>) target_semaphore(%arg33 : memref<!tpu.dma_semaphore, #tpu.memory_space<semaphore_mem>>)
    %get3A_162 = arith.constant 0 : index
    %get3A_163 = arith.constant 0 : index
    %get3A_164 = vector.load %arg3[%get3A_162, %get3A_163] : memref<1x1xf32, #tpu.memory_space<vmem>>, vector<1x1xf32>
    %get3A_165 = vector.extract %get3A_164[0, 0] : f32 from vector<1x1xf32>
    %add3A_166 = vector.broadcast %get3A_165 : f32 to vector<1x4096xf32>
    %add3A_167 = arith.addf %dot_general3A_158, %add3A_166 : vector<1x4096xf32>
    %swap3A_168 = arith.constant 0 : index
    %swap3A_169 = arith.constant 0 : index
    %swap3A_170 = vector.load %arg21[%swap3A_168, %swap3A_169] : memref<1x4096xf32, #tpu.memory_space<vmem>>, vector<1x4096xf32>
    tpu.vector_store %arg21[%swap3A_168, %swap3A_169], %add3A_167 {strides = array<i32>} : memref<1x4096xf32, #tpu.memory_space<vmem>>, vector<1x4096xf32>,
    %dma_start3A_171 = arith.constant 0 : i32
    %dma_start3A_172 = arith.constant 16384 : i32
    %dma_start3A_173 = tpu.memref_slice %arg4[%dma_start3A_172] : memref<100096xf32, #tpu.memory_space<any>> -> memref<4096xf32, #tpu.memory_space<any>>
    %dma_start3A_174 = arith.constant 0 : i32
    %dma_start3A_175 = tpu.memref_slice %arg21[%dma_start3A_171, %dma_start3A_174] : memref<1x4096xf32, #tpu.memory_space<vmem>> -> memref<1x4096xf32, #tpu.memory_space<vmem>>
    %dma_start3A_176 = tpu.memref_squeeze %dma_start3A_175 : memref<1x4096xf32, #tpu.memory_space<vmem>> -> memref<4096xf32, #tpu.memory_space<vmem>>
    tpu.enqueue_dma source(%dma_start3A_176 : memref<4096xf32, #tpu.memory_space<vmem>>) target(%dma_start3A_173 : memref<4096xf32, #tpu.memory_space<any>>) target_semaphore(%arg45 : memref<!tpu.dma_semaphore, #tpu.memory_space<semaphore_mem>>)
    %dma_wait3A_177 = arith.constant 0 : i32
    %dma_wait3A_178 = arith.constant 20480 : i32
    %dma_wait3A_179 = tpu.memref_slice %arg0[%dma_wait3A_177, %dma_wait3A_178] : memref<64x100000xf32, #tpu.memory_space<any>> -> memref<64x4096xf32, #tpu.memory_space<any>>
    tpu.wait_dma2 semaphore(%arg34 : memref<!tpu.dma_semaphore, #tpu.memory_space<semaphore_mem>>) src(%dma_wait3A_179 : memref<64x4096xf32, #tpu.memory_space<any>>) dst(%arg10 : memref<64x4096xf32, #tpu.memory_space<vmem>>)
    %get3A_180 = arith.constant 0 : index
    %get3A_181 = arith.constant 0 : index
    %get3A_182 = vector.load %arg1[%get3A_180, %get3A_181] : memref<1x64xf32, #tpu.memory_space<vmem>>, vector<1x64xf32>
    %get3A_183 = arith.constant 0 : index
    %get3A_184 = arith.constant 0 : index
    %get3A_185 = vector.load %arg10[%get3A_183, %get3A_184] : memref<64x4096xf32, #tpu.memory_space<vmem>>, vector<64x4096xf32>
    %dot_general3A_186 = arith.constant dense<0.000000e+00> : vector<1x4096xf32>
    %dot_general3A_187 = tpu.matmul %get3A_182, %get3A_185, %dot_general3A_186 {dimension_numbers = #tpu.dot_dimension_numbers<[1], [0], [0], [1], [0, 0, 1, 1], [], []>, transpose_lhs_hint = false} : vector<1x64xf32>, vector<64x4096xf32>, vector<1x4096xf32> -> vector<1x4096xf32>
    %dma_start3A_188 = arith.constant 0 : i32
    %dma_start3A_189 = arith.constant 69632 : i32
    %dma_start3A_190 = tpu.memref_slice %arg0[%dma_start3A_188, %dma_start3A_189] : memref<64x100000xf32, #tpu.memory_space<any>> -> memref<64x4096xf32, #tpu.memory_space<any>>
    tpu.enqueue_dma source(%dma_start3A_190 : memref<64x4096xf32, #tpu.memory_space<any>>) target(%arg10 : memref<64x4096xf32, #tpu.memory_space<vmem>>) target_semaphore(%arg34 : memref<!tpu.dma_semaphore, #tpu.memory_space<semaphore_mem>>)
    %get3A_191 = arith.constant 0 : index
    %get3A_192 = arith.constant 0 : index
    %get3A_193 = vector.load %arg3[%get3A_191, %get3A_192] : memref<1x1xf32, #tpu.memory_space<vmem>>, vector<1x1xf32>
    %get3A_194 = vector.extract %get3A_193[0, 0] : f32 from vector<1x1xf32>
    %add3A_195 = vector.broadcast %get3A_194 : f32 to vector<1x4096xf32>
    %add3A_196 = arith.addf %dot_general3A_187, %add3A_195 : vector<1x4096xf32>
    %swap3A_197 = arith.constant 0 : index
    %swap3A_198 = arith.constant 0 : index
    %swap3A_199 = vector.load %arg22[%swap3A_197, %swap3A_198] : memref<1x4096xf32, #tpu.memory_space<vmem>>, vector<1x4096xf32>
    tpu.vector_store %arg22[%swap3A_197, %swap3A_198], %add3A_196 {strides = array<i32>} : memref<1x4096xf32, #tpu.memory_space<vmem>>, vector<1x4096xf32>,
    %dma_start3A_200 = arith.constant 0 : i32
    %dma_start3A_201 = arith.constant 20480 : i32
    %dma_start3A_202 = tpu.memref_slice %arg4[%dma_start3A_201] : memref<100096xf32, #tpu.memory_space<any>> -> memref<4096xf32, #tpu.memory_space<any>>
    %dma_start3A_203 = arith.constant 0 : i32
    %dma_start3A_204 = tpu.memref_slice %arg22[%dma_start3A_200, %dma_start3A_203] : memref<1x4096xf32, #tpu.memory_space<vmem>> -> memref<1x4096xf32, #tpu.memory_space<vmem>>
    %dma_start3A_205 = tpu.memref_squeeze %dma_start3A_204 : memref<1x4096xf32, #tpu.memory_space<vmem>> -> memref<4096xf32, #tpu.memory_space<vmem>>
    tpu.enqueue_dma source(%dma_start3A_205 : memref<4096xf32, #tpu.memory_space<vmem>>) target(%dma_start3A_202 : memref<4096xf32, #tpu.memory_space<any>>) target_semaphore(%arg46 : memref<!tpu.dma_semaphore, #tpu.memory_space<semaphore_mem>>)
    %dma_wait3A_206 = arith.constant 0 : i32
    %dma_wait3A_207 = arith.constant 24576 : i32
    %dma_wait3A_208 = tpu.memref_slice %arg0[%dma_wait3A_206, %dma_wait3A_207] : memref<64x100000xf32, #tpu.memory_space<any>> -> memref<64x4096xf32, #tpu.memory_space<any>>
    tpu.wait_dma2 semaphore(%arg35 : memref<!tpu.dma_semaphore, #tpu.memory_space<semaphore_mem>>) src(%dma_wait3A_208 : memref<64x4096xf32, #tpu.memory_space<any>>) dst(%arg11 : memref<64x4096xf32, #tpu.memory_space<vmem>>)
    %get3A_209 = arith.constant 0 : index
    %get3A_210 = arith.constant 0 : index
    %get3A_211 = vector.load %arg1[%get3A_209, %get3A_210] : memref<1x64xf32, #tpu.memory_space<vmem>>, vector<1x64xf32>
    %get3A_212 = arith.constant 0 : index
    %get3A_213 = arith.constant 0 : index
    %get3A_214 = vector.load %arg11[%get3A_212, %get3A_213] : memref<64x4096xf32, #tpu.memory_space<vmem>>, vector<64x4096xf32>
    %dot_general3A_215 = arith.constant dense<0.000000e+00> : vector<1x4096xf32>
    %dot_general3A_216 = tpu.matmul %get3A_211, %get3A_214, %dot_general3A_215 {dimension_numbers = #tpu.dot_dimension_numbers<[1], [0], [0], [1], [0, 0, 1, 1], [], []>, transpose_lhs_hint = false} : vector<1x64xf32>, vector<64x4096xf32>, vector<1x4096xf32> -> vector<1x4096xf32>
    %dma_start3A_217 = arith.constant 0 : i32
    %dma_start3A_218 = arith.constant 73728 : i32
    %dma_start3A_219 = tpu.memref_slice %arg0[%dma_start3A_217, %dma_start3A_218] : memref<64x100000xf32, #tpu.memory_space<any>> -> memref<64x4096xf32, #tpu.memory_space<any>>
    tpu.enqueue_dma source(%dma_start3A_219 : memref<64x4096xf32, #tpu.memory_space<any>>) target(%arg11 : memref<64x4096xf32, #tpu.memory_space<vmem>>) target_semaphore(%arg35 : memref<!tpu.dma_semaphore, #tpu.memory_space<semaphore_mem>>)
    %get3A_220 = arith.constant 0 : index
    %get3A_221 = arith.constant 0 : index
    %get3A_222 = vector.load %arg3[%get3A_220, %get3A_221] : memref<1x1xf32, #tpu.memory_space<vmem>>, vector<1x1xf32>
    %get3A_223 = vector.extract %get3A_222[0, 0] : f32 from vector<1x1xf32>
    %add3A_224 = vector.broadcast %get3A_223 : f32 to vector<1x4096xf32>
    %add3A_225 = arith.addf %dot_general3A_216, %add3A_224 : vector<1x4096xf32>
    %swap3A_226 = arith.constant 0 : index
    %swap3A_227 = arith.constant 0 : index
    %swap3A_228 = vector.load %arg23[%swap3A_226, %swap3A_227] : memref<1x4096xf32, #tpu.memory_space<vmem>>, vector<1x4096xf32>
    tpu.vector_store %arg23[%swap3A_226, %swap3A_227], %add3A_225 {strides = array<i32>} : memref<1x4096xf32, #tpu.memory_space<vmem>>, vector<1x4096xf32>,
    %dma_start3A_229 = arith.constant 0 : i32
    %dma_start3A_230 = arith.constant 24576 : i32
    %dma_start3A_231 = tpu.memref_slice %arg4[%dma_start3A_230] : memref<100096xf32, #tpu.memory_space<any>> -> memref<4096xf32, #tpu.memory_space<any>>
    %dma_start3A_232 = arith.constant 0 : i32
    %dma_start3A_233 = tpu.memref_slice %arg23[%dma_start3A_229, %dma_start3A_232] : memref<1x4096xf32, #tpu.memory_space<vmem>> -> memref<1x4096xf32, #tpu.memory_space<vmem>>
    %dma_start3A_234 = tpu.memref_squeeze %dma_start3A_233 : memref<1x4096xf32, #tpu.memory_space<vmem>> -> memref<4096xf32, #tpu.memory_space<vmem>>
    tpu.enqueue_dma source(%dma_start3A_234 : memref<4096xf32, #tpu.memory_space<vmem>>) target(%dma_start3A_231 : memref<4096xf32, #tpu.memory_space<any>>) target_semaphore(%arg47 : memref<!tpu.dma_semaphore, #tpu.memory_space<semaphore_mem>>)
    %dma_wait3A_235 = arith.constant 0 : i32
    %dma_wait3A_236 = arith.constant 28672 : i32
    %dma_wait3A_237 = tpu.memref_slice %arg0[%dma_wait3A_235, %dma_wait3A_236] : memref<64x100000xf32, #tpu.memory_space<any>> -> memref<64x4096xf32, #tpu.memory_space<any>>
    tpu.wait_dma2 semaphore(%arg36 : memref<!tpu.dma_semaphore, #tpu.memory_space<semaphore_mem>>) src(%dma_wait3A_237 : memref<64x4096xf32, #tpu.memory_space<any>>) dst(%arg12 : memref<64x4096xf32, #tpu.memory_space<vmem>>)
    %get3A_238 = arith.constant 0 : index
    %get3A_239 = arith.constant 0 : index
    %get3A_240 = vector.load %arg1[%get3A_238, %get3A_239] : memref<1x64xf32, #tpu.memory_space<vmem>>, vector<1x64xf32>
    %get3A_241 = arith.constant 0 : index
    %get3A_242 = arith.constant 0 : index
    %get3A_243 = vector.load %arg12[%get3A_241, %get3A_242] : memref<64x4096xf32, #tpu.memory_space<vmem>>, vector<64x4096xf32>
    %dot_general3A_244 = arith.constant dense<0.000000e+00> : vector<1x4096xf32>
    %dot_general3A_245 = tpu.matmul %get3A_240, %get3A_243, %dot_general3A_244 {dimension_numbers = #tpu.dot_dimension_numbers<[1], [0], [0], [1], [0, 0, 1, 1], [], []>, transpose_lhs_hint = false} : vector<1x64xf32>, vector<64x4096xf32>, vector<1x4096xf32> -> vector<1x4096xf32>
    %dma_start3A_246 = arith.constant 0 : i32
    %dma_start3A_247 = arith.constant 77824 : i32
    %dma_start3A_248 = tpu.memref_slice %arg0[%dma_start3A_246, %dma_start3A_247] : memref<64x100000xf32, #tpu.memory_space<any>> -> memref<64x4096xf32, #tpu.memory_space<any>>
    tpu.enqueue_dma source(%dma_start3A_248 : memref<64x4096xf32, #tpu.memory_space<any>>) target(%arg12 : memref<64x4096xf32, #tpu.memory_space<vmem>>) target_semaphore(%arg36 : memref<!tpu.dma_semaphore, #tpu.memory_space<semaphore_mem>>)
    %get3A_249 = arith.constant 0 : index
    %get3A_250 = arith.constant 0 : index
    %get3A_251 = vector.load %arg3[%get3A_249, %get3A_250] : memref<1x1xf32, #tpu.memory_space<vmem>>, vector<1x1xf32>
    %get3A_252 = vector.extract %get3A_251[0, 0] : f32 from vector<1x1xf32>
    %add3A_253 = vector.broadcast %get3A_252 : f32 to vector<1x4096xf32>
    %add3A_254 = arith.addf %dot_general3A_245, %add3A_253 : vector<1x4096xf32>
    %swap3A_255 = arith.constant 0 : index
    %swap3A_256 = arith.constant 0 : index
    %swap3A_257 = vector.load %arg24[%swap3A_255, %swap3A_256] : memref<1x4096xf32, #tpu.memory_space<vmem>>, vector<1x4096xf32>
    tpu.vector_store %arg24[%swap3A_255, %swap3A_256], %add3A_254 {strides = array<i32>} : memref<1x4096xf32, #tpu.memory_space<vmem>>, vector<1x4096xf32>,
    %dma_start3A_258 = arith.constant 0 : i32
    %dma_start3A_259 = arith.constant 28672 : i32
    %dma_start3A_260 = tpu.memref_slice %arg4[%dma_start3A_259] : memref<100096xf32, #tpu.memory_space<any>> -> memref<4096xf32, #tpu.memory_space<any>>
    %dma_start3A_261 = arith.constant 0 : i32
    %dma_start3A_262 = tpu.memref_slice %arg24[%dma_start3A_258, %dma_start3A_261] : memref<1x4096xf32, #tpu.memory_space<vmem>> -> memref<1x4096xf32, #tpu.memory_space<vmem>>
    %dma_start3A_263 = tpu.memref_squeeze %dma_start3A_262 : memref<1x4096xf32, #tpu.memory_space<vmem>> -> memref<4096xf32, #tpu.memory_space<vmem>>
    tpu.enqueue_dma source(%dma_start3A_263 : memref<4096xf32, #tpu.memory_space<vmem>>) target(%dma_start3A_260 : memref<4096xf32, #tpu.memory_space<any>>) target_semaphore(%arg48 : memref<!tpu.dma_semaphore, #tpu.memory_space<semaphore_mem>>)
    %dma_wait3A_264 = arith.constant 0 : i32
    %dma_wait3A_265 = arith.constant 32768 : i32
    %dma_wait3A_266 = tpu.memref_slice %arg0[%dma_wait3A_264, %dma_wait3A_265] : memref<64x100000xf32, #tpu.memory_space<any>> -> memref<64x4096xf32, #tpu.memory_space<any>>
    tpu.wait_dma2 semaphore(%arg37 : memref<!tpu.dma_semaphore, #tpu.memory_space<semaphore_mem>>) src(%dma_wait3A_266 : memref<64x4096xf32, #tpu.memory_space<any>>) dst(%arg13 : memref<64x4096xf32, #tpu.memory_space<vmem>>)
    %get3A_267 = arith.constant 0 : index
    %get3A_268 = arith.constant 0 : index
    %get3A_269 = vector.load %arg1[%get3A_267, %get3A_268] : memref<1x64xf32, #tpu.memory_space<vmem>>, vector<1x64xf32>
    %get3A_270 = arith.constant 0 : index
    %get3A_271 = arith.constant 0 : index
    %get3A_272 = vector.load %arg13[%get3A_270, %get3A_271] : memref<64x4096xf32, #tpu.memory_space<vmem>>, vector<64x4096xf32>
    %dot_general3A_273 = arith.constant dense<0.000000e+00> : vector<1x4096xf32>
    %dot_general3A_274 = tpu.matmul %get3A_269, %get3A_272, %dot_general3A_273 {dimension_numbers = #tpu.dot_dimension_numbers<[1], [0], [0], [1], [0, 0, 1, 1], [], []>, transpose_lhs_hint = false} : vector<1x64xf32>, vector<64x4096xf32>, vector<1x4096xf32> -> vector<1x4096xf32>
    %dma_start3A_275 = arith.constant 0 : i32
    %dma_start3A_276 = arith.constant 81920 : i32
    %dma_start3A_277 = tpu.memref_slice %arg0[%dma_start3A_275, %dma_start3A_276] : memref<64x100000xf32, #tpu.memory_space<any>> -> memref<64x4096xf32, #tpu.memory_space<any>>
    tpu.enqueue_dma source(%dma_start3A_277 : memref<64x4096xf32, #tpu.memory_space<any>>) target(%arg13 : memref<64x4096xf32, #tpu.memory_space<vmem>>) target_semaphore(%arg37 : memref<!tpu.dma_semaphore, #tpu.memory_space<semaphore_mem>>)
    %get3A_278 = arith.constant 0 : index
    %get3A_279 = arith.constant 0 : index
    %get3A_280 = vector.load %arg3[%get3A_278, %get3A_279] : memref<1x1xf32, #tpu.memory_space<vmem>>, vector<1x1xf32>
    %get3A_281 = vector.extract %get3A_280[0, 0] : f32 from vector<1x1xf32>
    %add3A_282 = vector.broadcast %get3A_281 : f32 to vector<1x4096xf32>
    %add3A_283 = arith.addf %dot_general3A_274, %add3A_282 : vector<1x4096xf32>
    %swap3A_284 = arith.constant 0 : index
    %swap3A_285 = arith.constant 0 : index
    %swap3A_286 = vector.load %arg25[%swap3A_284, %swap3A_285] : memref<1x4096xf32, #tpu.memory_space<vmem>>, vector<1x4096xf32>
    tpu.vector_store %arg25[%swap3A_284, %swap3A_285], %add3A_283 {strides = array<i32>} : memref<1x4096xf32, #tpu.memory_space<vmem>>, vector<1x4096xf32>,
    %dma_start3A_287 = arith.constant 0 : i32
    %dma_start3A_288 = arith.constant 32768 : i32
    %dma_start3A_289 = tpu.memref_slice %arg4[%dma_start3A_288] : memref<100096xf32, #tpu.memory_space<any>> -> memref<4096xf32, #tpu.memory_space<any>>
    %dma_start3A_290 = arith.constant 0 : i32
    %dma_start3A_291 = tpu.memref_slice %arg25[%dma_start3A_287, %dma_start3A_290] : memref<1x4096xf32, #tpu.memory_space<vmem>> -> memref<1x4096xf32, #tpu.memory_space<vmem>>
    %dma_start3A_292 = tpu.memref_squeeze %dma_start3A_291 : memref<1x4096xf32, #tpu.memory_space<vmem>> -> memref<4096xf32, #tpu.memory_space<vmem>>
    tpu.enqueue_dma source(%dma_start3A_292 : memref<4096xf32, #tpu.memory_space<vmem>>) target(%dma_start3A_289 : memref<4096xf32, #tpu.memory_space<any>>) target_semaphore(%arg49 : memref<!tpu.dma_semaphore, #tpu.memory_space<semaphore_mem>>)
    %dma_wait3A_293 = arith.constant 0 : i32
    %dma_wait3A_294 = arith.constant 36864 : i32
    %dma_wait3A_295 = tpu.memref_slice %arg0[%dma_wait3A_293, %dma_wait3A_294] : memref<64x100000xf32, #tpu.memory_space<any>> -> memref<64x4096xf32, #tpu.memory_space<any>>
    tpu.wait_dma2 semaphore(%arg38 : memref<!tpu.dma_semaphore, #tpu.memory_space<semaphore_mem>>) src(%dma_wait3A_295 : memref<64x4096xf32, #tpu.memory_space<any>>) dst(%arg14 : memref<64x4096xf32, #tpu.memory_space<vmem>>)
    %get3A_296 = arith.constant 0 : index
    %get3A_297 = arith.constant 0 : index
    %get3A_298 = vector.load %arg1[%get3A_296, %get3A_297] : memref<1x64xf32, #tpu.memory_space<vmem>>, vector<1x64xf32>
    %get3A_299 = arith.constant 0 : index
    %get3A_300 = arith.constant 0 : index
    %get3A_301 = vector.load %arg14[%get3A_299, %get3A_300] : memref<64x4096xf32, #tpu.memory_space<vmem>>, vector<64x4096xf32>
    %dot_general3A_302 = arith.constant dense<0.000000e+00> : vector<1x4096xf32>
    %dot_general3A_303 = tpu.matmul %get3A_298, %get3A_301, %dot_general3A_302 {dimension_numbers = #tpu.dot_dimension_numbers<[1], [0], [0], [1], [0, 0, 1, 1], [], []>, transpose_lhs_hint = false} : vector<1x64xf32>, vector<64x4096xf32>, vector<1x4096xf32> -> vector<1x4096xf32>
    %dma_start3A_304 = arith.constant 0 : i32
    %dma_start3A_305 = arith.constant 86016 : i32
    %dma_start3A_306 = tpu.memref_slice %arg0[%dma_start3A_304, %dma_start3A_305] : memref<64x100000xf32, #tpu.memory_space<any>> -> memref<64x4096xf32, #tpu.memory_space<any>>
    tpu.enqueue_dma source(%dma_start3A_306 : memref<64x4096xf32, #tpu.memory_space<any>>) target(%arg14 : memref<64x4096xf32, #tpu.memory_space<vmem>>) target_semaphore(%arg38 : memref<!tpu.dma_semaphore, #tpu.memory_space<semaphore_mem>>)
    %get3A_307 = arith.constant 0 : index
    %get3A_308 = arith.constant 0 : index
    %get3A_309 = vector.load %arg3[%get3A_307, %get3A_308] : memref<1x1xf32, #tpu.memory_space<vmem>>, vector<1x1xf32>
    %get3A_310 = vector.extract %get3A_309[0, 0] : f32 from vector<1x1xf32>
    %add3A_311 = vector.broadcast %get3A_310 : f32 to vector<1x4096xf32>
    %add3A_312 = arith.addf %dot_general3A_303, %add3A_311 : vector<1x4096xf32>
    %swap3A_313 = arith.constant 0 : index
    %swap3A_314 = arith.constant 0 : index
    %swap3A_315 = vector.load %arg26[%swap3A_313, %swap3A_314] : memref<1x4096xf32, #tpu.memory_space<vmem>>, vector<1x4096xf32>
    tpu.vector_store %arg26[%swap3A_313, %swap3A_314], %add3A_312 {strides = array<i32>} : memref<1x4096xf32, #tpu.memory_space<vmem>>, vector<1x4096xf32>,
    %dma_start3A_316 = arith.constant 0 : i32
    %dma_start3A_317 = arith.constant 36864 : i32
    %dma_start3A_318 = tpu.memref_slice %arg4[%dma_start3A_317] : memref<100096xf32, #tpu.memory_space<any>> -> memref<4096xf32, #tpu.memory_space<any>>
    %dma_start3A_319 = arith.constant 0 : i32
    %dma_start3A_320 = tpu.memref_slice %arg26[%dma_start3A_316, %dma_start3A_319] : memref<1x4096xf32, #tpu.memory_space<vmem>> -> memref<1x4096xf32, #tpu.memory_space<vmem>>
    %dma_start3A_321 = tpu.memref_squeeze %dma_start3A_320 : memref<1x4096xf32, #tpu.memory_space<vmem>> -> memref<4096xf32, #tpu.memory_space<vmem>>
    tpu.enqueue_dma source(%dma_start3A_321 : memref<4096xf32, #tpu.memory_space<vmem>>) target(%dma_start3A_318 : memref<4096xf32, #tpu.memory_space<any>>) target_semaphore(%arg50 : memref<!tpu.dma_semaphore, #tpu.memory_space<semaphore_mem>>)
    %dma_wait3A_322 = arith.constant 0 : i32
    %dma_wait3A_323 = arith.constant 40960 : i32
    %dma_wait3A_324 = tpu.memref_slice %arg0[%dma_wait3A_322, %dma_wait3A_323] : memref<64x100000xf32, #tpu.memory_space<any>> -> memref<64x4096xf32, #tpu.memory_space<any>>
    tpu.wait_dma2 semaphore(%arg39 : memref<!tpu.dma_semaphore, #tpu.memory_space<semaphore_mem>>) src(%dma_wait3A_324 : memref<64x4096xf32, #tpu.memory_space<any>>) dst(%arg15 : memref<64x4096xf32, #tpu.memory_space<vmem>>)
    %get3A_325 = arith.constant 0 : index
    %get3A_326 = arith.constant 0 : index
    %get3A_327 = vector.load %arg1[%get3A_325, %get3A_326] : memref<1x64xf32, #tpu.memory_space<vmem>>, vector<1x64xf32>
    %get3A_328 = arith.constant 0 : index
    %get3A_329 = arith.constant 0 : index
    %get3A_330 = vector.load %arg15[%get3A_328, %get3A_329] : memref<64x4096xf32, #tpu.memory_space<vmem>>, vector<64x4096xf32>
    %dot_general3A_331 = arith.constant dense<0.000000e+00> : vector<1x4096xf32>
    %dot_general3A_332 = tpu.matmul %get3A_327, %get3A_330, %dot_general3A_331 {dimension_numbers = #tpu.dot_dimension_numbers<[1], [0], [0], [1], [0, 0, 1, 1], [], []>, transpose_lhs_hint = false} : vector<1x64xf32>, vector<64x4096xf32>, vector<1x4096xf32> -> vector<1x4096xf32>
    %dma_start3A_333 = arith.constant 0 : i32
    %dma_start3A_334 = arith.constant 90112 : i32
    %dma_start3A_335 = tpu.memref_slice %arg0[%dma_start3A_333, %dma_start3A_334] : memref<64x100000xf32, #tpu.memory_space<any>> -> memref<64x4096xf32, #tpu.memory_space<any>>
    tpu.enqueue_dma source(%dma_start3A_335 : memref<64x4096xf32, #tpu.memory_space<any>>) target(%arg15 : memref<64x4096xf32, #tpu.memory_space<vmem>>) target_semaphore(%arg39 : memref<!tpu.dma_semaphore, #tpu.memory_space<semaphore_mem>>)
    %get3A_336 = arith.constant 0 : index
    %get3A_337 = arith.constant 0 : index
    %get3A_338 = vector.load %arg3[%get3A_336, %get3A_337] : memref<1x1xf32, #tpu.memory_space<vmem>>, vector<1x1xf32>
    %get3A_339 = vector.extract %get3A_338[0, 0] : f32 from vector<1x1xf32>
    %add3A_340 = vector.broadcast %get3A_339 : f32 to vector<1x4096xf32>
    %add3A_341 = arith.addf %dot_general3A_332, %add3A_340 : vector<1x4096xf32>
    %swap3A_342 = arith.constant 0 : index
    %swap3A_343 = arith.constant 0 : index
    %swap3A_344 = vector.load %arg27[%swap3A_342, %swap3A_343] : memref<1x4096xf32, #tpu.memory_space<vmem>>, vector<1x4096xf32>
    tpu.vector_store %arg27[%swap3A_342, %swap3A_343], %add3A_341 {strides = array<i32>} : memref<1x4096xf32, #tpu.memory_space<vmem>>, vector<1x4096xf32>,
    %dma_start3A_345 = arith.constant 0 : i32
    %dma_start3A_346 = arith.constant 40960 : i32
    %dma_start3A_347 = tpu.memref_slice %arg4[%dma_start3A_346] : memref<100096xf32, #tpu.memory_space<any>> -> memref<4096xf32, #tpu.memory_space<any>>
    %dma_start3A_348 = arith.constant 0 : i32
    %dma_start3A_349 = tpu.memref_slice %arg27[%dma_start3A_345, %dma_start3A_348] : memref<1x4096xf32, #tpu.memory_space<vmem>> -> memref<1x4096xf32, #tpu.memory_space<vmem>>
    %dma_start3A_350 = tpu.memref_squeeze %dma_start3A_349 : memref<1x4096xf32, #tpu.memory_space<vmem>> -> memref<4096xf32, #tpu.memory_space<vmem>>
    tpu.enqueue_dma source(%dma_start3A_350 : memref<4096xf32, #tpu.memory_space<vmem>>) target(%dma_start3A_347 : memref<4096xf32, #tpu.memory_space<any>>) target_semaphore(%arg51 : memref<!tpu.dma_semaphore, #tpu.memory_space<semaphore_mem>>)
    %dma_wait3A_351 = arith.constant 0 : i32
    %dma_wait3A_352 = arith.constant 45056 : i32
    %dma_wait3A_353 = tpu.memref_slice %arg0[%dma_wait3A_351, %dma_wait3A_352] : memref<64x100000xf32, #tpu.memory_space<any>> -> memref<64x4096xf32, #tpu.memory_space<any>>
    tpu.wait_dma2 semaphore(%arg40 : memref<!tpu.dma_semaphore, #tpu.memory_space<semaphore_mem>>) src(%dma_wait3A_353 : memref<64x4096xf32, #tpu.memory_space<any>>) dst(%arg16 : memref<64x4096xf32, #tpu.memory_space<vmem>>)
    %get3A_354 = arith.constant 0 : index
    %get3A_355 = arith.constant 0 : index
    %get3A_356 = vector.load %arg1[%get3A_354, %get3A_355] : memref<1x64xf32, #tpu.memory_space<vmem>>, vector<1x64xf32>
    %get3A_357 = arith.constant 0 : index
    %get3A_358 = arith.constant 0 : index
    %get3A_359 = vector.load %arg16[%get3A_357, %get3A_358] : memref<64x4096xf32, #tpu.memory_space<vmem>>, vector<64x4096xf32>
    %dot_general3A_360 = arith.constant dense<0.000000e+00> : vector<1x4096xf32>
    %dot_general3A_361 = tpu.matmul %get3A_356, %get3A_359, %dot_general3A_360 {dimension_numbers = #tpu.dot_dimension_numbers<[1], [0], [0], [1], [0, 0, 1, 1], [], []>, transpose_lhs_hint = false} : vector<1x64xf32>, vector<64x4096xf32>, vector<1x4096xf32> -> vector<1x4096xf32>
    %dma_start3A_362 = arith.constant 0 : i32
    %dma_start3A_363 = arith.constant 94208 : i32
    %dma_start3A_364 = tpu.memref_slice %arg0[%dma_start3A_362, %dma_start3A_363] : memref<64x100000xf32, #tpu.memory_space<any>> -> memref<64x4096xf32, #tpu.memory_space<any>>
    tpu.enqueue_dma source(%dma_start3A_364 : memref<64x4096xf32, #tpu.memory_space<any>>) target(%arg16 : memref<64x4096xf32, #tpu.memory_space<vmem>>) target_semaphore(%arg40 : memref<!tpu.dma_semaphore, #tpu.memory_space<semaphore_mem>>)
    %get3A_365 = arith.constant 0 : index
    %get3A_366 = arith.constant 0 : index
    %get3A_367 = vector.load %arg3[%get3A_365, %get3A_366] : memref<1x1xf32, #tpu.memory_space<vmem>>, vector<1x1xf32>
    %get3A_368 = vector.extract %get3A_367[0, 0] : f32 from vector<1x1xf32>
    %add3A_369 = vector.broadcast %get3A_368 : f32 to vector<1x4096xf32>
    %add3A_370 = arith.addf %dot_general3A_361, %add3A_369 : vector<1x4096xf32>
    %swap3A_371 = arith.constant 0 : index
    %swap3A_372 = arith.constant 0 : index
    %swap3A_373 = vector.load %arg28[%swap3A_371, %swap3A_372] : memref<1x4096xf32, #tpu.memory_space<vmem>>, vector<1x4096xf32>
    tpu.vector_store %arg28[%swap3A_371, %swap3A_372], %add3A_370 {strides = array<i32>} : memref<1x4096xf32, #tpu.memory_space<vmem>>, vector<1x4096xf32>,
    %dma_start3A_374 = arith.constant 0 : i32
    %dma_start3A_375 = arith.constant 45056 : i32
    %dma_start3A_376 = tpu.memref_slice %arg4[%dma_start3A_375] : memref<100096xf32, #tpu.memory_space<any>> -> memref<4096xf32, #tpu.memory_space<any>>
    %dma_start3A_377 = arith.constant 0 : i32
    %dma_start3A_378 = tpu.memref_slice %arg28[%dma_start3A_374, %dma_start3A_377] : memref<1x4096xf32, #tpu.memory_space<vmem>> -> memref<1x4096xf32, #tpu.memory_space<vmem>>
    %dma_start3A_379 = tpu.memref_squeeze %dma_start3A_378 : memref<1x4096xf32, #tpu.memory_space<vmem>> -> memref<4096xf32, #tpu.memory_space<vmem>>
    tpu.enqueue_dma source(%dma_start3A_379 : memref<4096xf32, #tpu.memory_space<vmem>>) target(%dma_start3A_376 : memref<4096xf32, #tpu.memory_space<any>>) target_semaphore(%arg52 : memref<!tpu.dma_semaphore, #tpu.memory_space<semaphore_mem>>)
    %dma_wait3A_380 = arith.constant 0 : i32
    %dma_wait3A_381 = arith.constant 49152 : i32
    %dma_wait3A_382 = tpu.memref_slice %arg0[%dma_wait3A_380, %dma_wait3A_381] : memref<64x100000xf32, #tpu.memory_space<any>> -> memref<64x4096xf32, #tpu.memory_space<any>>
    tpu.wait_dma2 semaphore(%arg29 : memref<!tpu.dma_semaphore, #tpu.memory_space<semaphore_mem>>) src(%dma_wait3A_382 : memref<64x4096xf32, #tpu.memory_space<any>>) dst(%arg5 : memref<64x4096xf32, #tpu.memory_space<vmem>>)
    %get3A_383 = arith.constant 0 : index
    %get3A_384 = arith.constant 0 : index
    %get3A_385 = vector.load %arg1[%get3A_383, %get3A_384] : memref<1x64xf32, #tpu.memory_space<vmem>>, vector<1x64xf32>
    %get3A_386 = arith.constant 0 : index
    %get3A_387 = arith.constant 0 : index
    %get3A_388 = vector.load %arg5[%get3A_386, %get3A_387] : memref<64x4096xf32, #tpu.memory_space<vmem>>, vector<64x4096xf32>
    %dot_general3A_389 = arith.constant dense<0.000000e+00> : vector<1x4096xf32>
    %dot_general3A_390 = tpu.matmul %get3A_385, %get3A_388, %dot_general3A_389 {dimension_numbers = #tpu.dot_dimension_numbers<[1], [0], [0], [1], [0, 0, 1, 1], [], []>, transpose_lhs_hint = false} : vector<1x64xf32>, vector<64x4096xf32>, vector<1x4096xf32> -> vector<1x4096xf32>
    %dma_start3A_391 = arith.constant 0 : i32
    %dma_start3A_392 = arith.constant 0 : i32
    %dma_start3A_393 = tpu.memref_slice %arg5[%dma_start3A_391, %dma_start3A_392] : memref<64x4096xf32, #tpu.memory_space<vmem>> -> memref<64x1664xf32, #tpu.memory_space<vmem>>
    %dma_start3A_394 = arith.constant 0 : i32
    %dma_start3A_395 = arith.constant 98304 : i32
    %dma_start3A_396 = tpu.memref_slice %arg0[%dma_start3A_394, %dma_start3A_395] : memref<64x100000xf32, #tpu.memory_space<any>> -> memref<64x1664xf32, #tpu.memory_space<any>>
    tpu.enqueue_dma source(%dma_start3A_396 : memref<64x1664xf32, #tpu.memory_space<any>>) target(%dma_start3A_393 : memref<64x1664xf32, #tpu.memory_space<vmem>>) target_semaphore(%arg29 : memref<!tpu.dma_semaphore, #tpu.memory_space<semaphore_mem>>)
    %dma_wait3A_397 = arith.constant 0 : i32
    %dma_wait3A_398 = arith.constant 0 : i32
    %dma_wait3A_399 = tpu.memref_slice %arg4[%dma_wait3A_398] : memref<100096xf32, #tpu.memory_space<any>> -> memref<4096xf32, #tpu.memory_space<any>>
    %dma_wait3A_400 = arith.constant 0 : i32
    %dma_wait3A_401 = tpu.memref_slice %arg17[%dma_wait3A_397, %dma_wait3A_400] : memref<1x4096xf32, #tpu.memory_space<vmem>> -> memref<1x4096xf32, #tpu.memory_space<vmem>>
    %dma_wait3A_402 = tpu.memref_squeeze %dma_wait3A_401 : memref<1x4096xf32, #tpu.memory_space<vmem>> -> memref<4096xf32, #tpu.memory_space<vmem>>
    tpu.wait_dma2 semaphore(%arg41 : memref<!tpu.dma_semaphore, #tpu.memory_space<semaphore_mem>>) src(%dma_wait3A_402 : memref<4096xf32, #tpu.memory_space<vmem>>) dst(%dma_wait3A_399 : memref<4096xf32, #tpu.memory_space<any>>)
    %get3A_403 = arith.constant 0 : index
    %get3A_404 = arith.constant 0 : index
    %get3A_405 = vector.load %arg3[%get3A_403, %get3A_404] : memref<1x1xf32, #tpu.memory_space<vmem>>, vector<1x1xf32>
    %get3A_406 = vector.extract %get3A_405[0, 0] : f32 from vector<1x1xf32>
    %add3A_407 = vector.broadcast %get3A_406 : f32 to vector<1x4096xf32>
    %add3A_408 = arith.addf %dot_general3A_390, %add3A_407 : vector<1x4096xf32>
    %swap3A_409 = arith.constant 0 : index
    %swap3A_410 = arith.constant 0 : index
    %swap3A_411 = vector.load %arg17[%swap3A_409, %swap3A_410] : memref<1x4096xf32, #tpu.memory_space<vmem>>, vector<1x4096xf32>
    tpu.vector_store %arg17[%swap3A_409, %swap3A_410], %add3A_408 {strides = array<i32>} : memref<1x4096xf32, #tpu.memory_space<vmem>>, vector<1x4096xf32>,
    %dma_start3A_412 = arith.constant 0 : i32
    %dma_start3A_413 = arith.constant 49152 : i32
    %dma_start3A_414 = tpu.memref_slice %arg4[%dma_start3A_413] : memref<100096xf32, #tpu.memory_space<any>> -> memref<4096xf32, #tpu.memory_space<any>>
    %dma_start3A_415 = arith.constant 0 : i32
    %dma_start3A_416 = tpu.memref_slice %arg17[%dma_start3A_412, %dma_start3A_415] : memref<1x4096xf32, #tpu.memory_space<vmem>> -> memref<1x4096xf32, #tpu.memory_space<vmem>>
    %dma_start3A_417 = tpu.memref_squeeze %dma_start3A_416 : memref<1x4096xf32, #tpu.memory_space<vmem>> -> memref<4096xf32, #tpu.memory_space<vmem>>
    tpu.enqueue_dma source(%dma_start3A_417 : memref<4096xf32, #tpu.memory_space<vmem>>) target(%dma_start3A_414 : memref<4096xf32, #tpu.memory_space<any>>) target_semaphore(%arg41 : memref<!tpu.dma_semaphore, #tpu.memory_space<semaphore_mem>>)
    %dma_wait3A_418 = arith.constant 0 : i32
    %dma_wait3A_419 = arith.constant 53248 : i32
    %dma_wait3A_420 = tpu.memref_slice %arg0[%dma_wait3A_418, %dma_wait3A_419] : memref<64x100000xf32, #tpu.memory_space<any>> -> memref<64x4096xf32, #tpu.memory_space<any>>
    tpu.wait_dma2 semaphore(%arg30 : memref<!tpu.dma_semaphore, #tpu.memory_space<semaphore_mem>>) src(%dma_wait3A_420 : memref<64x4096xf32, #tpu.memory_space<any>>) dst(%arg6 : memref<64x4096xf32, #tpu.memory_space<vmem>>)
    %get3A_421 = arith.constant 0 : index
    %get3A_422 = arith.constant 0 : index
    %get3A_423 = vector.load %arg1[%get3A_421, %get3A_422] : memref<1x64xf32, #tpu.memory_space<vmem>>, vector<1x64xf32>
    %get3A_424 = arith.constant 0 : index
    %get3A_425 = arith.constant 0 : index
    %get3A_426 = vector.load %arg6[%get3A_424, %get3A_425] : memref<64x4096xf32, #tpu.memory_space<vmem>>, vector<64x4096xf32>
    %dot_general3A_427 = arith.constant dense<0.000000e+00> : vector<1x4096xf32>
    %dot_general3A_428 = tpu.matmul %get3A_423, %get3A_426, %dot_general3A_427 {dimension_numbers = #tpu.dot_dimension_numbers<[1], [0], [0], [1], [0, 0, 1, 1], [], []>, transpose_lhs_hint = false} : vector<1x64xf32>, vector<64x4096xf32>, vector<1x4096xf32> -> vector<1x4096xf32>
    %dma_wait3A_429 = arith.constant 0 : i32
    %dma_wait3A_430 = arith.constant 4096 : i32
    %dma_wait3A_431 = tpu.memref_slice %arg4[%dma_wait3A_430] : memref<100096xf32, #tpu.memory_space<any>> -> memref<4096xf32, #tpu.memory_space<any>>
    %dma_wait3A_432 = arith.constant 0 : i32
    %dma_wait3A_433 = tpu.memref_slice %arg18[%dma_wait3A_429, %dma_wait3A_432] : memref<1x4096xf32, #tpu.memory_space<vmem>> -> memref<1x4096xf32, #tpu.memory_space<vmem>>
    %dma_wait3A_434 = tpu.memref_squeeze %dma_wait3A_433 : memref<1x4096xf32, #tpu.memory_space<vmem>> -> memref<4096xf32, #tpu.memory_space<vmem>>
    tpu.wait_dma2 semaphore(%arg42 : memref<!tpu.dma_semaphore, #tpu.memory_space<semaphore_mem>>) src(%dma_wait3A_434 : memref<4096xf32, #tpu.memory_space<vmem>>) dst(%dma_wait3A_431 : memref<4096xf32, #tpu.memory_space<any>>)
    %get3A_435 = arith.constant 0 : index
    %get3A_436 = arith.constant 0 : index
    %get3A_437 = vector.load %arg3[%get3A_435, %get3A_436] : memref<1x1xf32, #tpu.memory_space<vmem>>, vector<1x1xf32>
    %get3A_438 = vector.extract %get3A_437[0, 0] : f32 from vector<1x1xf32>
    %add3A_439 = vector.broadcast %get3A_438 : f32 to vector<1x4096xf32>
    %add3A_440 = arith.addf %dot_general3A_428, %add3A_439 : vector<1x4096xf32>
    %swap3A_441 = arith.constant 0 : index
    %swap3A_442 = arith.constant 0 : index
    %swap3A_443 = vector.load %arg18[%swap3A_441, %swap3A_442] : memref<1x4096xf32, #tpu.memory_space<vmem>>, vector<1x4096xf32>
    tpu.vector_store %arg18[%swap3A_441, %swap3A_442], %add3A_440 {strides = array<i32>} : memref<1x4096xf32, #tpu.memory_space<vmem>>, vector<1x4096xf32>,
    %dma_start3A_444 = arith.constant 0 : i32
    %dma_start3A_445 = arith.constant 53248 : i32
    %dma_start3A_446 = tpu.memref_slice %arg4[%dma_start3A_445] : memref<100096xf32, #tpu.memory_space<any>> -> memref<4096xf32, #tpu.memory_space<any>>
    %dma_start3A_447 = arith.constant 0 : i32
    %dma_start3A_448 = tpu.memref_slice %arg18[%dma_start3A_444, %dma_start3A_447] : memref<1x4096xf32, #tpu.memory_space<vmem>> -> memref<1x4096xf32, #tpu.memory_space<vmem>>
    %dma_start3A_449 = tpu.memref_squeeze %dma_start3A_448 : memref<1x4096xf32, #tpu.memory_space<vmem>> -> memref<4096xf32, #tpu.memory_space<vmem>>
    tpu.enqueue_dma source(%dma_start3A_449 : memref<4096xf32, #tpu.memory_space<vmem>>) target(%dma_start3A_446 : memref<4096xf32, #tpu.memory_space<any>>) target_semaphore(%arg42 : memref<!tpu.dma_semaphore, #tpu.memory_space<semaphore_mem>>)
    %dma_wait3A_450 = arith.constant 0 : i32
    %dma_wait3A_451 = arith.constant 57344 : i32
    %dma_wait3A_452 = tpu.memref_slice %arg0[%dma_wait3A_450, %dma_wait3A_451] : memref<64x100000xf32, #tpu.memory_space<any>> -> memref<64x4096xf32, #tpu.memory_space<any>>
    tpu.wait_dma2 semaphore(%arg31 : memref<!tpu.dma_semaphore, #tpu.memory_space<semaphore_mem>>) src(%dma_wait3A_452 : memref<64x4096xf32, #tpu.memory_space<any>>) dst(%arg7 : memref<64x4096xf32, #tpu.memory_space<vmem>>)
    %get3A_453 = arith.constant 0 : index
    %get3A_454 = arith.constant 0 : index
    %get3A_455 = vector.load %arg1[%get3A_453, %get3A_454] : memref<1x64xf32, #tpu.memory_space<vmem>>, vector<1x64xf32>
    %get3A_456 = arith.constant 0 : index
    %get3A_457 = arith.constant 0 : index
    %get3A_458 = vector.load %arg7[%get3A_456, %get3A_457] : memref<64x4096xf32, #tpu.memory_space<vmem>>, vector<64x4096xf32>
    %dot_general3A_459 = arith.constant dense<0.000000e+00> : vector<1x4096xf32>
    %dot_general3A_460 = tpu.matmul %get3A_455, %get3A_458, %dot_general3A_459 {dimension_numbers = #tpu.dot_dimension_numbers<[1], [0], [0], [1], [0, 0, 1, 1], [], []>, transpose_lhs_hint = false} : vector<1x64xf32>, vector<64x4096xf32>, vector<1x4096xf32> -> vector<1x4096xf32>
    %dma_wait3A_461 = arith.constant 0 : i32
    %dma_wait3A_462 = arith.constant 8192 : i32
    %dma_wait3A_463 = tpu.memref_slice %arg4[%dma_wait3A_462] : memref<100096xf32, #tpu.memory_space<any>> -> memref<4096xf32, #tpu.memory_space<any>>
    %dma_wait3A_464 = arith.constant 0 : i32
    %dma_wait3A_465 = tpu.memref_slice %arg19[%dma_wait3A_461, %dma_wait3A_464] : memref<1x4096xf32, #tpu.memory_space<vmem>> -> memref<1x4096xf32, #tpu.memory_space<vmem>>
    %dma_wait3A_466 = tpu.memref_squeeze %dma_wait3A_465 : memref<1x4096xf32, #tpu.memory_space<vmem>> -> memref<4096xf32, #tpu.memory_space<vmem>>
    tpu.wait_dma2 semaphore(%arg43 : memref<!tpu.dma_semaphore, #tpu.memory_space<semaphore_mem>>) src(%dma_wait3A_466 : memref<4096xf32, #tpu.memory_space<vmem>>) dst(%dma_wait3A_463 : memref<4096xf32, #tpu.memory_space<any>>)
    %get3A_467 = arith.constant 0 : index
    %get3A_468 = arith.constant 0 : index
    %get3A_469 = vector.load %arg3[%get3A_467, %get3A_468] : memref<1x1xf32, #tpu.memory_space<vmem>>, vector<1x1xf32>
    %get3A_470 = vector.extract %get3A_469[0, 0] : f32 from vector<1x1xf32>
    %add3A_471 = vector.broadcast %get3A_470 : f32 to vector<1x4096xf32>
    %add3A_472 = arith.addf %dot_general3A_460, %add3A_471 : vector<1x4096xf32>
    %swap3A_473 = arith.constant 0 : index
    %swap3A_474 = arith.constant 0 : index
    %swap3A_475 = vector.load %arg19[%swap3A_473, %swap3A_474] : memref<1x4096xf32, #tpu.memory_space<vmem>>, vector<1x4096xf32>
    tpu.vector_store %arg19[%swap3A_473, %swap3A_474], %add3A_472 {strides = array<i32>} : memref<1x4096xf32, #tpu.memory_space<vmem>>, vector<1x4096xf32>,
    %dma_start3A_476 = arith.constant 0 : i32
    %dma_start3A_477 = arith.constant 57344 : i32
    %dma_start3A_478 = tpu.memref_slice %arg4[%dma_start3A_477] : memref<100096xf32, #tpu.memory_space<any>> -> memref<4096xf32, #tpu.memory_space<any>>
    %dma_start3A_479 = arith.constant 0 : i32
    %dma_start3A_480 = tpu.memref_slice %arg19[%dma_start3A_476, %dma_start3A_479] : memref<1x4096xf32, #tpu.memory_space<vmem>> -> memref<1x4096xf32, #tpu.memory_space<vmem>>
    %dma_start3A_481 = tpu.memref_squeeze %dma_start3A_480 : memref<1x4096xf32, #tpu.memory_space<vmem>> -> memref<4096xf32, #tpu.memory_space<vmem>>
    tpu.enqueue_dma source(%dma_start3A_481 : memref<4096xf32, #tpu.memory_space<vmem>>) target(%dma_start3A_478 : memref<4096xf32, #tpu.memory_space<any>>) target_semaphore(%arg43 : memref<!tpu.dma_semaphore, #tpu.memory_space<semaphore_mem>>)
    %dma_wait3A_482 = arith.constant 0 : i32
    %dma_wait3A_483 = arith.constant 61440 : i32
    %dma_wait3A_484 = tpu.memref_slice %arg0[%dma_wait3A_482, %dma_wait3A_483] : memref<64x100000xf32, #tpu.memory_space<any>> -> memref<64x4096xf32, #tpu.memory_space<any>>
    tpu.wait_dma2 semaphore(%arg32 : memref<!tpu.dma_semaphore, #tpu.memory_space<semaphore_mem>>) src(%dma_wait3A_484 : memref<64x4096xf32, #tpu.memory_space<any>>) dst(%arg8 : memref<64x4096xf32, #tpu.memory_space<vmem>>)
    %get3A_485 = arith.constant 0 : index
    %get3A_486 = arith.constant 0 : index
    %get3A_487 = vector.load %arg1[%get3A_485, %get3A_486] : memref<1x64xf32, #tpu.memory_space<vmem>>, vector<1x64xf32>
    %get3A_488 = arith.constant 0 : index
    %get3A_489 = arith.constant 0 : index
    %get3A_490 = vector.load %arg8[%get3A_488, %get3A_489] : memref<64x4096xf32, #tpu.memory_space<vmem>>, vector<64x4096xf32>
    %dot_general3A_491 = arith.constant dense<0.000000e+00> : vector<1x4096xf32>
    %dot_general3A_492 = tpu.matmul %get3A_487, %get3A_490, %dot_general3A_491 {dimension_numbers = #tpu.dot_dimension_numbers<[1], [0], [0], [1], [0, 0, 1, 1], [], []>, transpose_lhs_hint = false} : vector<1x64xf32>, vector<64x4096xf32>, vector<1x4096xf32> -> vector<1x4096xf32>
    %dma_wait3A_493 = arith.constant 0 : i32
    %dma_wait3A_494 = arith.constant 12288 : i32
    %dma_wait3A_495 = tpu.memref_slice %arg4[%dma_wait3A_494] : memref<100096xf32, #tpu.memory_space<any>> -> memref<4096xf32, #tpu.memory_space<any>>
    %dma_wait3A_496 = arith.constant 0 : i32
    %dma_wait3A_497 = tpu.memref_slice %arg20[%dma_wait3A_493, %dma_wait3A_496] : memref<1x4096xf32, #tpu.memory_space<vmem>> -> memref<1x4096xf32, #tpu.memory_space<vmem>>
    %dma_wait3A_498 = tpu.memref_squeeze %dma_wait3A_497 : memref<1x4096xf32, #tpu.memory_space<vmem>> -> memref<4096xf32, #tpu.memory_space<vmem>>
    tpu.wait_dma2 semaphore(%arg44 : memref<!tpu.dma_semaphore, #tpu.memory_space<semaphore_mem>>) src(%dma_wait3A_498 : memref<4096xf32, #tpu.memory_space<vmem>>) dst(%dma_wait3A_495 : memref<4096xf32, #tpu.memory_space<any>>)
    %get3A_499 = arith.constant 0 : index
    %get3A_500 = arith.constant 0 : index
    %get3A_501 = vector.load %arg3[%get3A_499, %get3A_500] : memref<1x1xf32, #tpu.memory_space<vmem>>, vector<1x1xf32>
    %get3A_502 = vector.extract %get3A_501[0, 0] : f32 from vector<1x1xf32>
    %add3A_503 = vector.broadcast %get3A_502 : f32 to vector<1x4096xf32>
    %add3A_504 = arith.addf %dot_general3A_492, %add3A_503 : vector<1x4096xf32>
    %swap3A_505 = arith.constant 0 : index
    %swap3A_506 = arith.constant 0 : index
    %swap3A_507 = vector.load %arg20[%swap3A_505, %swap3A_506] : memref<1x4096xf32, #tpu.memory_space<vmem>>, vector<1x4096xf32>
    tpu.vector_store %arg20[%swap3A_505, %swap3A_506], %add3A_504 {strides = array<i32>} : memref<1x4096xf32, #tpu.memory_space<vmem>>, vector<1x4096xf32>,
    %dma_start3A_508 = arith.constant 0 : i32
    %dma_start3A_509 = arith.constant 61440 : i32
    %dma_start3A_510 = tpu.memref_slice %arg4[%dma_start3A_509] : memref<100096xf32, #tpu.memory_space<any>> -> memref<4096xf32, #tpu.memory_space<any>>
    %dma_start3A_511 = arith.constant 0 : i32
    %dma_start3A_512 = tpu.memref_slice %arg20[%dma_start3A_508, %dma_start3A_511] : memref<1x4096xf32, #tpu.memory_space<vmem>> -> memref<1x4096xf32, #tpu.memory_space<vmem>>
    %dma_start3A_513 = tpu.memref_squeeze %dma_start3A_512 : memref<1x4096xf32, #tpu.memory_space<vmem>> -> memref<4096xf32, #tpu.memory_space<vmem>>
    tpu.enqueue_dma source(%dma_start3A_513 : memref<4096xf32, #tpu.memory_space<vmem>>) target(%dma_start3A_510 : memref<4096xf32, #tpu.memory_space<any>>) target_semaphore(%arg44 : memref<!tpu.dma_semaphore, #tpu.memory_space<semaphore_mem>>)
    %dma_wait3A_514 = arith.constant 0 : i32
    %dma_wait3A_515 = arith.constant 65536 : i32
    %dma_wait3A_516 = tpu.memref_slice %arg0[%dma_wait3A_514, %dma_wait3A_515] : memref<64x100000xf32, #tpu.memory_space<any>> -> memref<64x4096xf32, #tpu.memory_space<any>>
    tpu.wait_dma2 semaphore(%arg33 : memref<!tpu.dma_semaphore, #tpu.memory_space<semaphore_mem>>) src(%dma_wait3A_516 : memref<64x4096xf32, #tpu.memory_space<any>>) dst(%arg9 : memref<64x4096xf32, #tpu.memory_space<vmem>>)
    %get3A_517 = arith.constant 0 : index
    %get3A_518 = arith.constant 0 : index
    %get3A_519 = vector.load %arg1[%get3A_517, %get3A_518] : memref<1x64xf32, #tpu.memory_space<vmem>>, vector<1x64xf32>
    %get3A_520 = arith.constant 0 : index
    %get3A_521 = arith.constant 0 : index
    %get3A_522 = vector.load %arg9[%get3A_520, %get3A_521] : memref<64x4096xf32, #tpu.memory_space<vmem>>, vector<64x4096xf32>
    %dot_general3A_523 = arith.constant dense<0.000000e+00> : vector<1x4096xf32>
    %dot_general3A_524 = tpu.matmul %get3A_519, %get3A_522, %dot_general3A_523 {dimension_numbers = #tpu.dot_dimension_numbers<[1], [0], [0], [1], [0, 0, 1, 1], [], []>, transpose_lhs_hint = false} : vector<1x64xf32>, vector<64x4096xf32>, vector<1x4096xf32> -> vector<1x4096xf32>
    %dma_wait3A_525 = arith.constant 0 : i32
    %dma_wait3A_526 = arith.constant 16384 : i32
    %dma_wait3A_527 = tpu.memref_slice %arg4[%dma_wait3A_526] : memref<100096xf32, #tpu.memory_space<any>> -> memref<4096xf32, #tpu.memory_space<any>>
    %dma_wait3A_528 = arith.constant 0 : i32
    %dma_wait3A_529 = tpu.memref_slice %arg21[%dma_wait3A_525, %dma_wait3A_528] : memref<1x4096xf32, #tpu.memory_space<vmem>> -> memref<1x4096xf32, #tpu.memory_space<vmem>>
    %dma_wait3A_530 = tpu.memref_squeeze %dma_wait3A_529 : memref<1x4096xf32, #tpu.memory_space<vmem>> -> memref<4096xf32, #tpu.memory_space<vmem>>
    tpu.wait_dma2 semaphore(%arg45 : memref<!tpu.dma_semaphore, #tpu.memory_space<semaphore_mem>>) src(%dma_wait3A_530 : memref<4096xf32, #tpu.memory_space<vmem>>) dst(%dma_wait3A_527 : memref<4096xf32, #tpu.memory_space<any>>)
    %get3A_531 = arith.constant 0 : index
    %get3A_532 = arith.constant 0 : index
    %get3A_533 = vector.load %arg3[%get3A_531, %get3A_532] : memref<1x1xf32, #tpu.memory_space<vmem>>, vector<1x1xf32>
    %get3A_534 = vector.extract %get3A_533[0, 0] : f32 from vector<1x1xf32>
    %add3A_535 = vector.broadcast %get3A_534 : f32 to vector<1x4096xf32>
    %add3A_536 = arith.addf %dot_general3A_524, %add3A_535 : vector<1x4096xf32>
    %swap3A_537 = arith.constant 0 : index
    %swap3A_538 = arith.constant 0 : index
    %swap3A_539 = vector.load %arg21[%swap3A_537, %swap3A_538] : memref<1x4096xf32, #tpu.memory_space<vmem>>, vector<1x4096xf32>
    tpu.vector_store %arg21[%swap3A_537, %swap3A_538], %add3A_536 {strides = array<i32>} : memref<1x4096xf32, #tpu.memory_space<vmem>>, vector<1x4096xf32>,
    %dma_start3A_540 = arith.constant 0 : i32
    %dma_start3A_541 = arith.constant 65536 : i32
    %dma_start3A_542 = tpu.memref_slice %arg4[%dma_start3A_541] : memref<100096xf32, #tpu.memory_space<any>> -> memref<4096xf32, #tpu.memory_space<any>>
    %dma_start3A_543 = arith.constant 0 : i32
    %dma_start3A_544 = tpu.memref_slice %arg21[%dma_start3A_540, %dma_start3A_543] : memref<1x4096xf32, #tpu.memory_space<vmem>> -> memref<1x4096xf32, #tpu.memory_space<vmem>>
    %dma_start3A_545 = tpu.memref_squeeze %dma_start3A_544 : memref<1x4096xf32, #tpu.memory_space<vmem>> -> memref<4096xf32, #tpu.memory_space<vmem>>
    tpu.enqueue_dma source(%dma_start3A_545 : memref<4096xf32, #tpu.memory_space<vmem>>) target(%dma_start3A_542 : memref<4096xf32, #tpu.memory_space<any>>) target_semaphore(%arg45 : memref<!tpu.dma_semaphore, #tpu.memory_space<semaphore_mem>>)
    %dma_wait3A_546 = arith.constant 0 : i32
    %dma_wait3A_547 = arith.constant 69632 : i32
    %dma_wait3A_548 = tpu.memref_slice %arg0[%dma_wait3A_546, %dma_wait3A_547] : memref<64x100000xf32, #tpu.memory_space<any>> -> memref<64x4096xf32, #tpu.memory_space<any>>
    tpu.wait_dma2 semaphore(%arg34 : memref<!tpu.dma_semaphore, #tpu.memory_space<semaphore_mem>>) src(%dma_wait3A_548 : memref<64x4096xf32, #tpu.memory_space<any>>) dst(%arg10 : memref<64x4096xf32, #tpu.memory_space<vmem>>)
    %get3A_549 = arith.constant 0 : index
    %get3A_550 = arith.constant 0 : index
    %get3A_551 = vector.load %arg1[%get3A_549, %get3A_550] : memref<1x64xf32, #tpu.memory_space<vmem>>, vector<1x64xf32>
    %get3A_552 = arith.constant 0 : index
    %get3A_553 = arith.constant 0 : index
    %get3A_554 = vector.load %arg10[%get3A_552, %get3A_553] : memref<64x4096xf32, #tpu.memory_space<vmem>>, vector<64x4096xf32>
    %dot_general3A_555 = arith.constant dense<0.000000e+00> : vector<1x4096xf32>
    %dot_general3A_556 = tpu.matmul %get3A_551, %get3A_554, %dot_general3A_555 {dimension_numbers = #tpu.dot_dimension_numbers<[1], [0], [0], [1], [0, 0, 1, 1], [], []>, transpose_lhs_hint = false} : vector<1x64xf32>, vector<64x4096xf32>, vector<1x4096xf32> -> vector<1x4096xf32>
    %dma_wait3A_557 = arith.constant 0 : i32
    %dma_wait3A_558 = arith.constant 20480 : i32
    %dma_wait3A_559 = tpu.memref_slice %arg4[%dma_wait3A_558] : memref<100096xf32, #tpu.memory_space<any>> -> memref<4096xf32, #tpu.memory_space<any>>
    %dma_wait3A_560 = arith.constant 0 : i32
    %dma_wait3A_561 = tpu.memref_slice %arg22[%dma_wait3A_557, %dma_wait3A_560] : memref<1x4096xf32, #tpu.memory_space<vmem>> -> memref<1x4096xf32, #tpu.memory_space<vmem>>
    %dma_wait3A_562 = tpu.memref_squeeze %dma_wait3A_561 : memref<1x4096xf32, #tpu.memory_space<vmem>> -> memref<4096xf32, #tpu.memory_space<vmem>>
    tpu.wait_dma2 semaphore(%arg46 : memref<!tpu.dma_semaphore, #tpu.memory_space<semaphore_mem>>) src(%dma_wait3A_562 : memref<4096xf32, #tpu.memory_space<vmem>>) dst(%dma_wait3A_559 : memref<4096xf32, #tpu.memory_space<any>>)
    %get3A_563 = arith.constant 0 : index
    %get3A_564 = arith.constant 0 : index
    %get3A_565 = vector.load %arg3[%get3A_563, %get3A_564] : memref<1x1xf32, #tpu.memory_space<vmem>>, vector<1x1xf32>
    %get3A_566 = vector.extract %get3A_565[0, 0] : f32 from vector<1x1xf32>
    %add3A_567 = vector.broadcast %get3A_566 : f32 to vector<1x4096xf32>
    %add3A_568 = arith.addf %dot_general3A_556, %add3A_567 : vector<1x4096xf32>
    %swap3A_569 = arith.constant 0 : index
    %swap3A_570 = arith.constant 0 : index
    %swap3A_571 = vector.load %arg22[%swap3A_569, %swap3A_570] : memref<1x4096xf32, #tpu.memory_space<vmem>>, vector<1x4096xf32>
    tpu.vector_store %arg22[%swap3A_569, %swap3A_570], %add3A_568 {strides = array<i32>} : memref<1x4096xf32, #tpu.memory_space<vmem>>, vector<1x4096xf32>,
    %dma_start3A_572 = arith.constant 0 : i32
    %dma_start3A_573 = arith.constant 69632 : i32
    %dma_start3A_574 = tpu.memref_slice %arg4[%dma_start3A_573] : memref<100096xf32, #tpu.memory_space<any>> -> memref<4096xf32, #tpu.memory_space<any>>
    %dma_start3A_575 = arith.constant 0 : i32
    %dma_start3A_576 = tpu.memref_slice %arg22[%dma_start3A_572, %dma_start3A_575] : memref<1x4096xf32, #tpu.memory_space<vmem>> -> memref<1x4096xf32, #tpu.memory_space<vmem>>
    %dma_start3A_577 = tpu.memref_squeeze %dma_start3A_576 : memref<1x4096xf32, #tpu.memory_space<vmem>> -> memref<4096xf32, #tpu.memory_space<vmem>>
    tpu.enqueue_dma source(%dma_start3A_577 : memref<4096xf32, #tpu.memory_space<vmem>>) target(%dma_start3A_574 : memref<4096xf32, #tpu.memory_space<any>>) target_semaphore(%arg46 : memref<!tpu.dma_semaphore, #tpu.memory_space<semaphore_mem>>)
    %dma_wait3A_578 = arith.constant 0 : i32
    %dma_wait3A_579 = arith.constant 73728 : i32
    %dma_wait3A_580 = tpu.memref_slice %arg0[%dma_wait3A_578, %dma_wait3A_579] : memref<64x100000xf32, #tpu.memory_space<any>> -> memref<64x4096xf32, #tpu.memory_space<any>>
    tpu.wait_dma2 semaphore(%arg35 : memref<!tpu.dma_semaphore, #tpu.memory_space<semaphore_mem>>) src(%dma_wait3A_580 : memref<64x4096xf32, #tpu.memory_space<any>>) dst(%arg11 : memref<64x4096xf32, #tpu.memory_space<vmem>>)
    %get3A_581 = arith.constant 0 : index
    %get3A_582 = arith.constant 0 : index
    %get3A_583 = vector.load %arg1[%get3A_581, %get3A_582] : memref<1x64xf32, #tpu.memory_space<vmem>>, vector<1x64xf32>
    %get3A_584 = arith.constant 0 : index
    %get3A_585 = arith.constant 0 : index
    %get3A_586 = vector.load %arg11[%get3A_584, %get3A_585] : memref<64x4096xf32, #tpu.memory_space<vmem>>, vector<64x4096xf32>
    %dot_general3A_587 = arith.constant dense<0.000000e+00> : vector<1x4096xf32>
    %dot_general3A_588 = tpu.matmul %get3A_583, %get3A_586, %dot_general3A_587 {dimension_numbers = #tpu.dot_dimension_numbers<[1], [0], [0], [1], [0, 0, 1, 1], [], []>, transpose_lhs_hint = false} : vector<1x64xf32>, vector<64x4096xf32>, vector<1x4096xf32> -> vector<1x4096xf32>
    %dma_wait3A_589 = arith.constant 0 : i32
    %dma_wait3A_590 = arith.constant 24576 : i32
    %dma_wait3A_591 = tpu.memref_slice %arg4[%dma_wait3A_590] : memref<100096xf32, #tpu.memory_space<any>> -> memref<4096xf32, #tpu.memory_space<any>>
    %dma_wait3A_592 = arith.constant 0 : i32
    %dma_wait3A_593 = tpu.memref_slice %arg23[%dma_wait3A_589, %dma_wait3A_592] : memref<1x4096xf32, #tpu.memory_space<vmem>> -> memref<1x4096xf32, #tpu.memory_space<vmem>>
    %dma_wait3A_594 = tpu.memref_squeeze %dma_wait3A_593 : memref<1x4096xf32, #tpu.memory_space<vmem>> -> memref<4096xf32, #tpu.memory_space<vmem>>
    tpu.wait_dma2 semaphore(%arg47 : memref<!tpu.dma_semaphore, #tpu.memory_space<semaphore_mem>>) src(%dma_wait3A_594 : memref<4096xf32, #tpu.memory_space<vmem>>) dst(%dma_wait3A_591 : memref<4096xf32, #tpu.memory_space<any>>)
    %get3A_595 = arith.constant 0 : index
    %get3A_596 = arith.constant 0 : index
    %get3A_597 = vector.load %arg3[%get3A_595, %get3A_596] : memref<1x1xf32, #tpu.memory_space<vmem>>, vector<1x1xf32>
    %get3A_598 = vector.extract %get3A_597[0, 0] : f32 from vector<1x1xf32>
    %add3A_599 = vector.broadcast %get3A_598 : f32 to vector<1x4096xf32>
    %add3A_600 = arith.addf %dot_general3A_588, %add3A_599 : vector<1x4096xf32>
    %swap3A_601 = arith.constant 0 : index
    %swap3A_602 = arith.constant 0 : index
    %swap3A_603 = vector.load %arg23[%swap3A_601, %swap3A_602] : memref<1x4096xf32, #tpu.memory_space<vmem>>, vector<1x4096xf32>
    tpu.vector_store %arg23[%swap3A_601, %swap3A_602], %add3A_600 {strides = array<i32>} : memref<1x4096xf32, #tpu.memory_space<vmem>>, vector<1x4096xf32>,
    %dma_start3A_604 = arith.constant 0 : i32
    %dma_start3A_605 = arith.constant 73728 : i32
    %dma_start3A_606 = tpu.memref_slice %arg4[%dma_start3A_605] : memref<100096xf32, #tpu.memory_space<any>> -> memref<4096xf32, #tpu.memory_space<any>>
    %dma_start3A_607 = arith.constant 0 : i32
    %dma_start3A_608 = tpu.memref_slice %arg23[%dma_start3A_604, %dma_start3A_607] : memref<1x4096xf32, #tpu.memory_space<vmem>> -> memref<1x4096xf32, #tpu.memory_space<vmem>>
    %dma_start3A_609 = tpu.memref_squeeze %dma_start3A_608 : memref<1x4096xf32, #tpu.memory_space<vmem>> -> memref<4096xf32, #tpu.memory_space<vmem>>
    tpu.enqueue_dma source(%dma_start3A_609 : memref<4096xf32, #tpu.memory_space<vmem>>) target(%dma_start3A_606 : memref<4096xf32, #tpu.memory_space<any>>) target_semaphore(%arg47 : memref<!tpu.dma_semaphore, #tpu.memory_space<semaphore_mem>>)
    %dma_wait3A_610 = arith.constant 0 : i32
    %dma_wait3A_611 = arith.constant 77824 : i32
    %dma_wait3A_612 = tpu.memref_slice %arg0[%dma_wait3A_610, %dma_wait3A_611] : memref<64x100000xf32, #tpu.memory_space<any>> -> memref<64x4096xf32, #tpu.memory_space<any>>
    tpu.wait_dma2 semaphore(%arg36 : memref<!tpu.dma_semaphore, #tpu.memory_space<semaphore_mem>>) src(%dma_wait3A_612 : memref<64x4096xf32, #tpu.memory_space<any>>) dst(%arg12 : memref<64x4096xf32, #tpu.memory_space<vmem>>)
    %get3A_613 = arith.constant 0 : index
    %get3A_614 = arith.constant 0 : index
    %get3A_615 = vector.load %arg1[%get3A_613, %get3A_614] : memref<1x64xf32, #tpu.memory_space<vmem>>, vector<1x64xf32>
    %get3A_616 = arith.constant 0 : index
    %get3A_617 = arith.constant 0 : index
    %get3A_618 = vector.load %arg12[%get3A_616, %get3A_617] : memref<64x4096xf32, #tpu.memory_space<vmem>>, vector<64x4096xf32>
    %dot_general3A_619 = arith.constant dense<0.000000e+00> : vector<1x4096xf32>
    %dot_general3A_620 = tpu.matmul %get3A_615, %get3A_618, %dot_general3A_619 {dimension_numbers = #tpu.dot_dimension_numbers<[1], [0], [0], [1], [0, 0, 1, 1], [], []>, transpose_lhs_hint = false} : vector<1x64xf32>, vector<64x4096xf32>, vector<1x4096xf32> -> vector<1x4096xf32>
    %dma_wait3A_621 = arith.constant 0 : i32
    %dma_wait3A_622 = arith.constant 28672 : i32
    %dma_wait3A_623 = tpu.memref_slice %arg4[%dma_wait3A_622] : memref<100096xf32, #tpu.memory_space<any>> -> memref<4096xf32, #tpu.memory_space<any>>
    %dma_wait3A_624 = arith.constant 0 : i32
    %dma_wait3A_625 = tpu.memref_slice %arg24[%dma_wait3A_621, %dma_wait3A_624] : memref<1x4096xf32, #tpu.memory_space<vmem>> -> memref<1x4096xf32, #tpu.memory_space<vmem>>
    %dma_wait3A_626 = tpu.memref_squeeze %dma_wait3A_625 : memref<1x4096xf32, #tpu.memory_space<vmem>> -> memref<4096xf32, #tpu.memory_space<vmem>>
    tpu.wait_dma2 semaphore(%arg48 : memref<!tpu.dma_semaphore, #tpu.memory_space<semaphore_mem>>) src(%dma_wait3A_626 : memref<4096xf32, #tpu.memory_space<vmem>>) dst(%dma_wait3A_623 : memref<4096xf32, #tpu.memory_space<any>>)
    %get3A_627 = arith.constant 0 : index
    %get3A_628 = arith.constant 0 : index
    %get3A_629 = vector.load %arg3[%get3A_627, %get3A_628] : memref<1x1xf32, #tpu.memory_space<vmem>>, vector<1x1xf32>
    %get3A_630 = vector.extract %get3A_629[0, 0] : f32 from vector<1x1xf32>
    %add3A_631 = vector.broadcast %get3A_630 : f32 to vector<1x4096xf32>
    %add3A_632 = arith.addf %dot_general3A_620, %add3A_631 : vector<1x4096xf32>
    %swap3A_633 = arith.constant 0 : index
    %swap3A_634 = arith.constant 0 : index
    %swap3A_635 = vector.load %arg24[%swap3A_633, %swap3A_634] : memref<1x4096xf32, #tpu.memory_space<vmem>>, vector<1x4096xf32>
    tpu.vector_store %arg24[%swap3A_633, %swap3A_634], %add3A_632 {strides = array<i32>} : memref<1x4096xf32, #tpu.memory_space<vmem>>, vector<1x4096xf32>,
    %dma_start3A_636 = arith.constant 0 : i32
    %dma_start3A_637 = arith.constant 77824 : i32
    %dma_start3A_638 = tpu.memref_slice %arg4[%dma_start3A_637] : memref<100096xf32, #tpu.memory_space<any>> -> memref<4096xf32, #tpu.memory_space<any>>
    %dma_start3A_639 = arith.constant 0 : i32
    %dma_start3A_640 = tpu.memref_slice %arg24[%dma_start3A_636, %dma_start3A_639] : memref<1x4096xf32, #tpu.memory_space<vmem>> -> memref<1x4096xf32, #tpu.memory_space<vmem>>
    %dma_start3A_641 = tpu.memref_squeeze %dma_start3A_640 : memref<1x4096xf32, #tpu.memory_space<vmem>> -> memref<4096xf32, #tpu.memory_space<vmem>>
    tpu.enqueue_dma source(%dma_start3A_641 : memref<4096xf32, #tpu.memory_space<vmem>>) target(%dma_start3A_638 : memref<4096xf32, #tpu.memory_space<any>>) target_semaphore(%arg48 : memref<!tpu.dma_semaphore, #tpu.memory_space<semaphore_mem>>)
    %dma_wait3A_642 = arith.constant 0 : i32
    %dma_wait3A_643 = arith.constant 81920 : i32
    %dma_wait3A_644 = tpu.memref_slice %arg0[%dma_wait3A_642, %dma_wait3A_643] : memref<64x100000xf32, #tpu.memory_space<any>> -> memref<64x4096xf32, #tpu.memory_space<any>>
    tpu.wait_dma2 semaphore(%arg37 : memref<!tpu.dma_semaphore, #tpu.memory_space<semaphore_mem>>) src(%dma_wait3A_644 : memref<64x4096xf32, #tpu.memory_space<any>>) dst(%arg13 : memref<64x4096xf32, #tpu.memory_space<vmem>>)
    %get3A_645 = arith.constant 0 : index
    %get3A_646 = arith.constant 0 : index
    %get3A_647 = vector.load %arg1[%get3A_645, %get3A_646] : memref<1x64xf32, #tpu.memory_space<vmem>>, vector<1x64xf32>
    %get3A_648 = arith.constant 0 : index
    %get3A_649 = arith.constant 0 : index
    %get3A_650 = vector.load %arg13[%get3A_648, %get3A_649] : memref<64x4096xf32, #tpu.memory_space<vmem>>, vector<64x4096xf32>
    %dot_general3A_651 = arith.constant dense<0.000000e+00> : vector<1x4096xf32>
    %dot_general3A_652 = tpu.matmul %get3A_647, %get3A_650, %dot_general3A_651 {dimension_numbers = #tpu.dot_dimension_numbers<[1], [0], [0], [1], [0, 0, 1, 1], [], []>, transpose_lhs_hint = false} : vector<1x64xf32>, vector<64x4096xf32>, vector<1x4096xf32> -> vector<1x4096xf32>
    %dma_wait3A_653 = arith.constant 0 : i32
    %dma_wait3A_654 = arith.constant 32768 : i32
    %dma_wait3A_655 = tpu.memref_slice %arg4[%dma_wait3A_654] : memref<100096xf32, #tpu.memory_space<any>> -> memref<4096xf32, #tpu.memory_space<any>>
    %dma_wait3A_656 = arith.constant 0 : i32
    %dma_wait3A_657 = tpu.memref_slice %arg25[%dma_wait3A_653, %dma_wait3A_656] : memref<1x4096xf32, #tpu.memory_space<vmem>> -> memref<1x4096xf32, #tpu.memory_space<vmem>>
    %dma_wait3A_658 = tpu.memref_squeeze %dma_wait3A_657 : memref<1x4096xf32, #tpu.memory_space<vmem>> -> memref<4096xf32, #tpu.memory_space<vmem>>
    tpu.wait_dma2 semaphore(%arg49 : memref<!tpu.dma_semaphore, #tpu.memory_space<semaphore_mem>>) src(%dma_wait3A_658 : memref<4096xf32, #tpu.memory_space<vmem>>) dst(%dma_wait3A_655 : memref<4096xf32, #tpu.memory_space<any>>)
    %get3A_659 = arith.constant 0 : index
    %get3A_660 = arith.constant 0 : index
    %get3A_661 = vector.load %arg3[%get3A_659, %get3A_660] : memref<1x1xf32, #tpu.memory_space<vmem>>, vector<1x1xf32>
    %get3A_662 = vector.extract %get3A_661[0, 0] : f32 from vector<1x1xf32>
    %add3A_663 = vector.broadcast %get3A_662 : f32 to vector<1x4096xf32>
    %add3A_664 = arith.addf %dot_general3A_652, %add3A_663 : vector<1x4096xf32>
    %swap3A_665 = arith.constant 0 : index
    %swap3A_666 = arith.constant 0 : index
    %swap3A_667 = vector.load %arg25[%swap3A_665, %swap3A_666] : memref<1x4096xf32, #tpu.memory_space<vmem>>, vector<1x4096xf32>
    tpu.vector_store %arg25[%swap3A_665, %swap3A_666], %add3A_664 {strides = array<i32>} : memref<1x4096xf32, #tpu.memory_space<vmem>>, vector<1x4096xf32>,
    %dma_start3A_668 = arith.constant 0 : i32
    %dma_start3A_669 = arith.constant 81920 : i32
    %dma_start3A_670 = tpu.memref_slice %arg4[%dma_start3A_669] : memref<100096xf32, #tpu.memory_space<any>> -> memref<4096xf32, #tpu.memory_space<any>>
    %dma_start3A_671 = arith.constant 0 : i32
    %dma_start3A_672 = tpu.memref_slice %arg25[%dma_start3A_668, %dma_start3A_671] : memref<1x4096xf32, #tpu.memory_space<vmem>> -> memref<1x4096xf32, #tpu.memory_space<vmem>>
    %dma_start3A_673 = tpu.memref_squeeze %dma_start3A_672 : memref<1x4096xf32, #tpu.memory_space<vmem>> -> memref<4096xf32, #tpu.memory_space<vmem>>
    tpu.enqueue_dma source(%dma_start3A_673 : memref<4096xf32, #tpu.memory_space<vmem>>) target(%dma_start3A_670 : memref<4096xf32, #tpu.memory_space<any>>) target_semaphore(%arg49 : memref<!tpu.dma_semaphore, #tpu.memory_space<semaphore_mem>>)
    %dma_wait3A_674 = arith.constant 0 : i32
    %dma_wait3A_675 = arith.constant 86016 : i32
    %dma_wait3A_676 = tpu.memref_slice %arg0[%dma_wait3A_674, %dma_wait3A_675] : memref<64x100000xf32, #tpu.memory_space<any>> -> memref<64x4096xf32, #tpu.memory_space<any>>
    tpu.wait_dma2 semaphore(%arg38 : memref<!tpu.dma_semaphore, #tpu.memory_space<semaphore_mem>>) src(%dma_wait3A_676 : memref<64x4096xf32, #tpu.memory_space<any>>) dst(%arg14 : memref<64x4096xf32, #tpu.memory_space<vmem>>)
    %get3A_677 = arith.constant 0 : index
    %get3A_678 = arith.constant 0 : index
    %get3A_679 = vector.load %arg1[%get3A_677, %get3A_678] : memref<1x64xf32, #tpu.memory_space<vmem>>, vector<1x64xf32>
    %get3A_680 = arith.constant 0 : index
    %get3A_681 = arith.constant 0 : index
    %get3A_682 = vector.load %arg14[%get3A_680, %get3A_681] : memref<64x4096xf32, #tpu.memory_space<vmem>>, vector<64x4096xf32>
    %dot_general3A_683 = arith.constant dense<0.000000e+00> : vector<1x4096xf32>
    %dot_general3A_684 = tpu.matmul %get3A_679, %get3A_682, %dot_general3A_683 {dimension_numbers = #tpu.dot_dimension_numbers<[1], [0], [0], [1], [0, 0, 1, 1], [], []>, transpose_lhs_hint = false} : vector<1x64xf32>, vector<64x4096xf32>, vector<1x4096xf32> -> vector<1x4096xf32>
    %dma_wait3A_685 = arith.constant 0 : i32
    %dma_wait3A_686 = arith.constant 36864 : i32
    %dma_wait3A_687 = tpu.memref_slice %arg4[%dma_wait3A_686] : memref<100096xf32, #tpu.memory_space<any>> -> memref<4096xf32, #tpu.memory_space<any>>
    %dma_wait3A_688 = arith.constant 0 : i32
    %dma_wait3A_689 = tpu.memref_slice %arg26[%dma_wait3A_685, %dma_wait3A_688] : memref<1x4096xf32, #tpu.memory_space<vmem>> -> memref<1x4096xf32, #tpu.memory_space<vmem>>
    %dma_wait3A_690 = tpu.memref_squeeze %dma_wait3A_689 : memref<1x4096xf32, #tpu.memory_space<vmem>> -> memref<4096xf32, #tpu.memory_space<vmem>>
    tpu.wait_dma2 semaphore(%arg50 : memref<!tpu.dma_semaphore, #tpu.memory_space<semaphore_mem>>) src(%dma_wait3A_690 : memref<4096xf32, #tpu.memory_space<vmem>>) dst(%dma_wait3A_687 : memref<4096xf32, #tpu.memory_space<any>>)
    %get3A_691 = arith.constant 0 : index
    %get3A_692 = arith.constant 0 : index
    %get3A_693 = vector.load %arg3[%get3A_691, %get3A_692] : memref<1x1xf32, #tpu.memory_space<vmem>>, vector<1x1xf32>
    %get3A_694 = vector.extract %get3A_693[0, 0] : f32 from vector<1x1xf32>
    %add3A_695 = vector.broadcast %get3A_694 : f32 to vector<1x4096xf32>
    %add3A_696 = arith.addf %dot_general3A_684, %add3A_695 : vector<1x4096xf32>
    %swap3A_697 = arith.constant 0 : index
    %swap3A_698 = arith.constant 0 : index
    %swap3A_699 = vector.load %arg26[%swap3A_697, %swap3A_698] : memref<1x4096xf32, #tpu.memory_space<vmem>>, vector<1x4096xf32>
    tpu.vector_store %arg26[%swap3A_697, %swap3A_698], %add3A_696 {strides = array<i32>} : memref<1x4096xf32, #tpu.memory_space<vmem>>, vector<1x4096xf32>,
    %dma_start3A_700 = arith.constant 0 : i32
    %dma_start3A_701 = arith.constant 86016 : i32
    %dma_start3A_702 = tpu.memref_slice %arg4[%dma_start3A_701] : memref<100096xf32, #tpu.memory_space<any>> -> memref<4096xf32, #tpu.memory_space<any>>
    %dma_start3A_703 = arith.constant 0 : i32
    %dma_start3A_704 = tpu.memref_slice %arg26[%dma_start3A_700, %dma_start3A_703] : memref<1x4096xf32, #tpu.memory_space<vmem>> -> memref<1x4096xf32, #tpu.memory_space<vmem>>
    %dma_start3A_705 = tpu.memref_squeeze %dma_start3A_704 : memref<1x4096xf32, #tpu.memory_space<vmem>> -> memref<4096xf32, #tpu.memory_space<vmem>>
    tpu.enqueue_dma source(%dma_start3A_705 : memref<4096xf32, #tpu.memory_space<vmem>>) target(%dma_start3A_702 : memref<4096xf32, #tpu.memory_space<any>>) target_semaphore(%arg50 : memref<!tpu.dma_semaphore, #tpu.memory_space<semaphore_mem>>)
    %dma_wait3A_706 = arith.constant 0 : i32
    %dma_wait3A_707 = arith.constant 90112 : i32
    %dma_wait3A_708 = tpu.memref_slice %arg0[%dma_wait3A_706, %dma_wait3A_707] : memref<64x100000xf32, #tpu.memory_space<any>> -> memref<64x4096xf32, #tpu.memory_space<any>>
    tpu.wait_dma2 semaphore(%arg39 : memref<!tpu.dma_semaphore, #tpu.memory_space<semaphore_mem>>) src(%dma_wait3A_708 : memref<64x4096xf32, #tpu.memory_space<any>>) dst(%arg15 : memref<64x4096xf32, #tpu.memory_space<vmem>>)
    %get3A_709 = arith.constant 0 : index
    %get3A_710 = arith.constant 0 : index
    %get3A_711 = vector.load %arg1[%get3A_709, %get3A_710] : memref<1x64xf32, #tpu.memory_space<vmem>>, vector<1x64xf32>
    %get3A_712 = arith.constant 0 : index
    %get3A_713 = arith.constant 0 : index
    %get3A_714 = vector.load %arg15[%get3A_712, %get3A_713] : memref<64x4096xf32, #tpu.memory_space<vmem>>, vector<64x4096xf32>
    %dot_general3A_715 = arith.constant dense<0.000000e+00> : vector<1x4096xf32>
    %dot_general3A_716 = tpu.matmul %get3A_711, %get3A_714, %dot_general3A_715 {dimension_numbers = #tpu.dot_dimension_numbers<[1], [0], [0], [1], [0, 0, 1, 1], [], []>, transpose_lhs_hint = false} : vector<1x64xf32>, vector<64x4096xf32>, vector<1x4096xf32> -> vector<1x4096xf32>
    %dma_wait3A_717 = arith.constant 0 : i32
    %dma_wait3A_718 = arith.constant 40960 : i32
    %dma_wait3A_719 = tpu.memref_slice %arg4[%dma_wait3A_718] : memref<100096xf32, #tpu.memory_space<any>> -> memref<4096xf32, #tpu.memory_space<any>>
    %dma_wait3A_720 = arith.constant 0 : i32
    %dma_wait3A_721 = tpu.memref_slice %arg27[%dma_wait3A_717, %dma_wait3A_720] : memref<1x4096xf32, #tpu.memory_space<vmem>> -> memref<1x4096xf32, #tpu.memory_space<vmem>>
    %dma_wait3A_722 = tpu.memref_squeeze %dma_wait3A_721 : memref<1x4096xf32, #tpu.memory_space<vmem>> -> memref<4096xf32, #tpu.memory_space<vmem>>
    tpu.wait_dma2 semaphore(%arg51 : memref<!tpu.dma_semaphore, #tpu.memory_space<semaphore_mem>>) src(%dma_wait3A_722 : memref<4096xf32, #tpu.memory_space<vmem>>) dst(%dma_wait3A_719 : memref<4096xf32, #tpu.memory_space<any>>)
    %get3A_723 = arith.constant 0 : index
    %get3A_724 = arith.constant 0 : index
    %get3A_725 = vector.load %arg3[%get3A_723, %get3A_724] : memref<1x1xf32, #tpu.memory_space<vmem>>, vector<1x1xf32>
    %get3A_726 = vector.extract %get3A_725[0, 0] : f32 from vector<1x1xf32>
    %add3A_727 = vector.broadcast %get3A_726 : f32 to vector<1x4096xf32>
    %add3A_728 = arith.addf %dot_general3A_716, %add3A_727 : vector<1x4096xf32>
    %swap3A_729 = arith.constant 0 : index
    %swap3A_730 = arith.constant 0 : index
    %swap3A_731 = vector.load %arg27[%swap3A_729, %swap3A_730] : memref<1x4096xf32, #tpu.memory_space<vmem>>, vector<1x4096xf32>
    tpu.vector_store %arg27[%swap3A_729, %swap3A_730], %add3A_728 {strides = array<i32>} : memref<1x4096xf32, #tpu.memory_space<vmem>>, vector<1x4096xf32>,
    %dma_start3A_732 = arith.constant 0 : i32
    %dma_start3A_733 = arith.constant 90112 : i32
    %dma_start3A_734 = tpu.memref_slice %arg4[%dma_start3A_733] : memref<100096xf32, #tpu.memory_space<any>> -> memref<4096xf32, #tpu.memory_space<any>>
    %dma_start3A_735 = arith.constant 0 : i32
    %dma_start3A_736 = tpu.memref_slice %arg27[%dma_start3A_732, %dma_start3A_735] : memref<1x4096xf32, #tpu.memory_space<vmem>> -> memref<1x4096xf32, #tpu.memory_space<vmem>>
    %dma_start3A_737 = tpu.memref_squeeze %dma_start3A_736 : memref<1x4096xf32, #tpu.memory_space<vmem>> -> memref<4096xf32, #tpu.memory_space<vmem>>
    tpu.enqueue_dma source(%dma_start3A_737 : memref<4096xf32, #tpu.memory_space<vmem>>) target(%dma_start3A_734 : memref<4096xf32, #tpu.memory_space<any>>) target_semaphore(%arg51 : memref<!tpu.dma_semaphore, #tpu.memory_space<semaphore_mem>>)
    %dma_wait3A_738 = arith.constant 0 : i32
    %dma_wait3A_739 = arith.constant 94208 : i32
    %dma_wait3A_740 = tpu.memref_slice %arg0[%dma_wait3A_738, %dma_wait3A_739] : memref<64x100000xf32, #tpu.memory_space<any>> -> memref<64x4096xf32, #tpu.memory_space<any>>
    tpu.wait_dma2 semaphore(%arg40 : memref<!tpu.dma_semaphore, #tpu.memory_space<semaphore_mem>>) src(%dma_wait3A_740 : memref<64x4096xf32, #tpu.memory_space<any>>) dst(%arg16 : memref<64x4096xf32, #tpu.memory_space<vmem>>)
    %get3A_741 = arith.constant 0 : index
    %get3A_742 = arith.constant 0 : index
    %get3A_743 = vector.load %arg1[%get3A_741, %get3A_742] : memref<1x64xf32, #tpu.memory_space<vmem>>, vector<1x64xf32>
    %get3A_744 = arith.constant 0 : index
    %get3A_745 = arith.constant 0 : index
    %get3A_746 = vector.load %arg16[%get3A_744, %get3A_745] : memref<64x4096xf32, #tpu.memory_space<vmem>>, vector<64x4096xf32>
    %dot_general3A_747 = arith.constant dense<0.000000e+00> : vector<1x4096xf32>
    %dot_general3A_748 = tpu.matmul %get3A_743, %get3A_746, %dot_general3A_747 {dimension_numbers = #tpu.dot_dimension_numbers<[1], [0], [0], [1], [0, 0, 1, 1], [], []>, transpose_lhs_hint = false} : vector<1x64xf32>, vector<64x4096xf32>, vector<1x4096xf32> -> vector<1x4096xf32>
    %dma_wait3A_749 = arith.constant 0 : i32
    %dma_wait3A_750 = arith.constant 45056 : i32
    %dma_wait3A_751 = tpu.memref_slice %arg4[%dma_wait3A_750] : memref<100096xf32, #tpu.memory_space<any>> -> memref<4096xf32, #tpu.memory_space<any>>
    %dma_wait3A_752 = arith.constant 0 : i32
    %dma_wait3A_753 = tpu.memref_slice %arg28[%dma_wait3A_749, %dma_wait3A_752] : memref<1x4096xf32, #tpu.memory_space<vmem>> -> memref<1x4096xf32, #tpu.memory_space<vmem>>
    %dma_wait3A_754 = tpu.memref_squeeze %dma_wait3A_753 : memref<1x4096xf32, #tpu.memory_space<vmem>> -> memref<4096xf32, #tpu.memory_space<vmem>>
    tpu.wait_dma2 semaphore(%arg52 : memref<!tpu.dma_semaphore, #tpu.memory_space<semaphore_mem>>) src(%dma_wait3A_754 : memref<4096xf32, #tpu.memory_space<vmem>>) dst(%dma_wait3A_751 : memref<4096xf32, #tpu.memory_space<any>>)
    %get3A_755 = arith.constant 0 : index
    %get3A_756 = arith.constant 0 : index
    %get3A_757 = vector.load %arg3[%get3A_755, %get3A_756] : memref<1x1xf32, #tpu.memory_space<vmem>>, vector<1x1xf32>
    %get3A_758 = vector.extract %get3A_757[0, 0] : f32 from vector<1x1xf32>
    %add3A_759 = vector.broadcast %get3A_758 : f32 to vector<1x4096xf32>
    %add3A_760 = arith.addf %dot_general3A_748, %add3A_759 : vector<1x4096xf32>
    %swap3A_761 = arith.constant 0 : index
    %swap3A_762 = arith.constant 0 : index
    %swap3A_763 = vector.load %arg28[%swap3A_761, %swap3A_762] : memref<1x4096xf32, #tpu.memory_space<vmem>>, vector<1x4096xf32>
    tpu.vector_store %arg28[%swap3A_761, %swap3A_762], %add3A_760 {strides = array<i32>} : memref<1x4096xf32, #tpu.memory_space<vmem>>, vector<1x4096xf32>,
    %dma_start3A_764 = arith.constant 0 : i32
    %dma_start3A_765 = arith.constant 94208 : i32
    %dma_start3A_766 = tpu.memref_slice %arg4[%dma_start3A_765] : memref<100096xf32, #tpu.memory_space<any>> -> memref<4096xf32, #tpu.memory_space<any>>
    %dma_start3A_767 = arith.constant 0 : i32
    %dma_start3A_768 = tpu.memref_slice %arg28[%dma_start3A_764, %dma_start3A_767] : memref<1x4096xf32, #tpu.memory_space<vmem>> -> memref<1x4096xf32, #tpu.memory_space<vmem>>
    %dma_start3A_769 = tpu.memref_squeeze %dma_start3A_768 : memref<1x4096xf32, #tpu.memory_space<vmem>> -> memref<4096xf32, #tpu.memory_space<vmem>>
    tpu.enqueue_dma source(%dma_start3A_769 : memref<4096xf32, #tpu.memory_space<vmem>>) target(%dma_start3A_766 : memref<4096xf32, #tpu.memory_space<any>>) target_semaphore(%arg52 : memref<!tpu.dma_semaphore, #tpu.memory_space<semaphore_mem>>)
    %dma_wait3A_770 = arith.constant 0 : i32
    %dma_wait3A_771 = arith.constant 0 : i32
    %dma_wait3A_772 = tpu.memref_slice %arg5[%dma_wait3A_770, %dma_wait3A_771] : memref<64x4096xf32, #tpu.memory_space<vmem>> -> memref<64x1664xf32, #tpu.memory_space<vmem>>
    %dma_wait3A_773 = arith.constant 0 : i32
    %dma_wait3A_774 = arith.constant 98304 : i32
    %dma_wait3A_775 = tpu.memref_slice %arg0[%dma_wait3A_773, %dma_wait3A_774] : memref<64x100000xf32, #tpu.memory_space<any>> -> memref<64x1664xf32, #tpu.memory_space<any>>
    tpu.wait_dma2 semaphore(%arg29 : memref<!tpu.dma_semaphore, #tpu.memory_space<semaphore_mem>>) src(%dma_wait3A_775 : memref<64x1664xf32, #tpu.memory_space<any>>) dst(%dma_wait3A_772 : memref<64x1664xf32, #tpu.memory_space<vmem>>)
    %get3A_776 = arith.constant 0 : index
    %get3A_777 = arith.constant 0 : index
    %get3A_778 = vector.load %arg1[%get3A_776, %get3A_777] : memref<1x64xf32, #tpu.memory_space<vmem>>, vector<1x64xf32>
    %get3A_779 = arith.constant 0 : index
    %get3A_780 = arith.constant 0 : index
    %get3A_781 = vector.load %arg5[%get3A_779, %get3A_780] : memref<64x4096xf32, #tpu.memory_space<vmem>>, vector<64x1664xf32>
    %dot_general3A_782 = arith.constant dense<0.000000e+00> : vector<1x1664xf32>
    %dot_general3A_783 = tpu.matmul %get3A_778, %get3A_781, %dot_general3A_782 {dimension_numbers = #tpu.dot_dimension_numbers<[1], [0], [0], [1], [0, 0, 1, 1], [], []>, transpose_lhs_hint = false} : vector<1x64xf32>, vector<64x1664xf32>, vector<1x1664xf32> -> vector<1x1664xf32>
    %dma_wait3A_784 = arith.constant 0 : i32
    %dma_wait3A_785 = arith.constant 49152 : i32
    %dma_wait3A_786 = tpu.memref_slice %arg4[%dma_wait3A_785] : memref<100096xf32, #tpu.memory_space<any>> -> memref<4096xf32, #tpu.memory_space<any>>
    %dma_wait3A_787 = arith.constant 0 : i32
    %dma_wait3A_788 = tpu.memref_slice %arg17[%dma_wait3A_784, %dma_wait3A_787] : memref<1x4096xf32, #tpu.memory_space<vmem>> -> memref<1x4096xf32, #tpu.memory_space<vmem>>
    %dma_wait3A_789 = tpu.memref_squeeze %dma_wait3A_788 : memref<1x4096xf32, #tpu.memory_space<vmem>> -> memref<4096xf32, #tpu.memory_space<vmem>>
    tpu.wait_dma2 semaphore(%arg41 : memref<!tpu.dma_semaphore, #tpu.memory_space<semaphore_mem>>) src(%dma_wait3A_789 : memref<4096xf32, #tpu.memory_space<vmem>>) dst(%dma_wait3A_786 : memref<4096xf32, #tpu.memory_space<any>>)
    %get3A_790 = arith.constant 0 : index
    %get3A_791 = arith.constant 0 : index
    %get3A_792 = vector.load %arg3[%get3A_790, %get3A_791] : memref<1x1xf32, #tpu.memory_space<vmem>>, vector<1x1xf32>
    %get3A_793 = vector.extract %get3A_792[0, 0] : f32 from vector<1x1xf32>
    %add3A_794 = vector.broadcast %get3A_793 : f32 to vector<1x1664xf32>
    %add3A_795 = arith.addf %dot_general3A_783, %add3A_794 : vector<1x1664xf32>
    %squeeze3A = vector.shape_cast %add3A_795 : vector<1x1664xf32> to vector<1664xf32>
    %swap3A_796 = arith.constant 0 : index
    %swap3A_797 = arith.constant 0 : index
    %swap3A_798 = vector.load %arg17[%swap3A_796, %swap3A_797] : memref<1x4096xf32, #tpu.memory_space<vmem>>, vector<1x1664xf32>
    %swap3A_799 = vector.shape_cast %swap3A_798 : vector<1x1664xf32> to vector<1664xf32>
    %swap3A_800 = vector.shape_cast %squeeze3A : vector<1664xf32> to vector<1x1664xf32>
    tpu.vector_store %arg17[%swap3A_796, %swap3A_797], %swap3A_800 {strides = array<i32>} : memref<1x4096xf32, #tpu.memory_space<vmem>>, vector<1x1664xf32>,
    %get3A_801 = arith.constant 0 : index
    %get3A_802 = arith.constant 0 : index
    %get3A_803 = vector.load %arg1[%get3A_801, %get3A_802] : memref<1x64xf32, #tpu.memory_space<vmem>>, vector<1x64xf32>
    %get3A_804 = arith.constant 0 : index
    %get3A_805 = arith.constant 0 : index
    %get3A_806 = vector.load %arg2[%get3A_804, %get3A_805] : memref<32x64xf32, #tpu.memory_space<vmem>>, vector<32x64xf32>
    %dot_general3A_807 = arith.constant dense<0.000000e+00> : vector<1x32xf32>
    %dot_general3A_808 = tpu.matmul %get3A_803, %get3A_806, %dot_general3A_807 {dimension_numbers = #tpu.dot_dimension_numbers<[1], [1], [0], [0], [0, 0, 1, 0], [], []>, transpose_lhs_hint = false} : vector<1x64xf32>, vector<32x64xf32>, vector<1x32xf32> -> vector<1x32xf32>
    %get3A_809 = arith.constant 0 : index
    %get3A_810 = arith.constant 0 : index
    %get3A_811 = vector.load %arg3[%get3A_809, %get3A_810] : memref<1x1xf32, #tpu.memory_space<vmem>>, vector<1x1xf32>
    %get3A_812 = vector.extract %get3A_811[0, 0] : f32 from vector<1x1xf32>
    %add3A_813 = vector.broadcast %get3A_812 : f32 to vector<1x32xf32>
    %add3A_814 = arith.addf %dot_general3A_808, %add3A_813 : vector<1x32xf32>
    %squeeze3A_815 = vector.shape_cast %add3A_814 : vector<1x32xf32> to vector<32xf32>
    %swap3A_816 = arith.constant 0 : index
    %swap3A_817 = arith.constant 1664 : index
    %swap3A_818 = vector.load %arg17[%swap3A_816, %swap3A_817] : memref<1x4096xf32, #tpu.memory_space<vmem>>, vector<1x32xf32>
    %swap3A_819 = vector.shape_cast %swap3A_818 : vector<1x32xf32> to vector<32xf32>
    %swap3A_820 = vector.shape_cast %squeeze3A_815 : vector<32xf32> to vector<1x32xf32>
    tpu.vector_store %arg17[%swap3A_816, %swap3A_817], %swap3A_820 {strides = array<i32>} : memref<1x4096xf32, #tpu.memory_space<vmem>>, vector<1x32xf32>,
    %dma_start3A_821 = arith.constant 0 : i32
    %dma_start3A_822 = arith.constant 98304 : i32
    %dma_start3A_823 = tpu.memref_slice %arg4[%dma_start3A_822] : memref<100096xf32, #tpu.memory_space<any>> -> memref<1792xf32, #tpu.memory_space<any>>
    %dma_start3A_824 = arith.constant 0 : i32
    %dma_start3A_825 = tpu.memref_slice %arg17[%dma_start3A_821, %dma_start3A_824] : memref<1x4096xf32, #tpu.memory_space<vmem>> -> memref<1x1792xf32, #tpu.memory_space<vmem>>
    %dma_start3A_826 = tpu.memref_squeeze %dma_start3A_825 : memref<1x1792xf32, #tpu.memory_space<vmem>> -> memref<1792xf32, #tpu.memory_space<vmem>>
    tpu.enqueue_dma source(%dma_start3A_826 : memref<1792xf32, #tpu.memory_space<vmem>>) target(%dma_start3A_823 : memref<1792xf32, #tpu.memory_space<any>>) target_semaphore(%arg41 : memref<!tpu.dma_semaphore, #tpu.memory_space<semaphore_mem>>)
    %dma_wait3A_827 = arith.constant 0 : i32
    %dma_wait3A_828 = arith.constant 53248 : i32
    %dma_wait3A_829 = tpu.memref_slice %arg4[%dma_wait3A_828] : memref<100096xf32, #tpu.memory_space<any>> -> memref<4096xf32, #tpu.memory_space<any>>
    %dma_wait3A_830 = arith.constant 0 : i32
    %dma_wait3A_831 = tpu.memref_slice %arg18[%dma_wait3A_827, %dma_wait3A_830] : memref<1x4096xf32, #tpu.memory_space<vmem>> -> memref<1x4096xf32, #tpu.memory_space<vmem>>
    %dma_wait3A_832 = tpu.memref_squeeze %dma_wait3A_831 : memref<1x4096xf32, #tpu.memory_space<vmem>> -> memref<4096xf32, #tpu.memory_space<vmem>>
    tpu.wait_dma2 semaphore(%arg42 : memref<!tpu.dma_semaphore, #tpu.memory_space<semaphore_mem>>) src(%dma_wait3A_832 : memref<4096xf32, #tpu.memory_space<vmem>>) dst(%dma_wait3A_829 : memref<4096xf32, #tpu.memory_space<any>>)
    %dma_wait3A_833 = arith.constant 0 : i32
    %dma_wait3A_834 = arith.constant 57344 : i32
    %dma_wait3A_835 = tpu.memref_slice %arg4[%dma_wait3A_834] : memref<100096xf32, #tpu.memory_space<any>> -> memref<4096xf32, #tpu.memory_space<any>>
    %dma_wait3A_836 = arith.constant 0 : i32
    %dma_wait3A_837 = tpu.memref_slice %arg19[%dma_wait3A_833, %dma_wait3A_836] : memref<1x4096xf32, #tpu.memory_space<vmem>> -> memref<1x4096xf32, #tpu.memory_space<vmem>>
    %dma_wait3A_838 = tpu.memref_squeeze %dma_wait3A_837 : memref<1x4096xf32, #tpu.memory_space<vmem>> -> memref<4096xf32, #tpu.memory_space<vmem>>
    tpu.wait_dma2 semaphore(%arg43 : memref<!tpu.dma_semaphore, #tpu.memory_space<semaphore_mem>>) src(%dma_wait3A_838 : memref<4096xf32, #tpu.memory_space<vmem>>) dst(%dma_wait3A_835 : memref<4096xf32, #tpu.memory_space<any>>)
    %dma_wait3A_839 = arith.constant 0 : i32
    %dma_wait3A_840 = arith.constant 61440 : i32
    %dma_wait3A_841 = tpu.memref_slice %arg4[%dma_wait3A_840] : memref<100096xf32, #tpu.memory_space<any>> -> memref<4096xf32, #tpu.memory_space<any>>
    %dma_wait3A_842 = arith.constant 0 : i32
    %dma_wait3A_843 = tpu.memref_slice %arg20[%dma_wait3A_839, %dma_wait3A_842] : memref<1x4096xf32, #tpu.memory_space<vmem>> -> memref<1x4096xf32, #tpu.memory_space<vmem>>
    %dma_wait3A_844 = tpu.memref_squeeze %dma_wait3A_843 : memref<1x4096xf32, #tpu.memory_space<vmem>> -> memref<4096xf32, #tpu.memory_space<vmem>>
    tpu.wait_dma2 semaphore(%arg44 : memref<!tpu.dma_semaphore, #tpu.memory_space<semaphore_mem>>) src(%dma_wait3A_844 : memref<4096xf32, #tpu.memory_space<vmem>>) dst(%dma_wait3A_841 : memref<4096xf32, #tpu.memory_space<any>>)
    %dma_wait3A_845 = arith.constant 0 : i32
    %dma_wait3A_846 = arith.constant 65536 : i32
    %dma_wait3A_847 = tpu.memref_slice %arg4[%dma_wait3A_846] : memref<100096xf32, #tpu.memory_space<any>> -> memref<4096xf32, #tpu.memory_space<any>>
    %dma_wait3A_848 = arith.constant 0 : i32
    %dma_wait3A_849 = tpu.memref_slice %arg21[%dma_wait3A_845, %dma_wait3A_848] : memref<1x4096xf32, #tpu.memory_space<vmem>> -> memref<1x4096xf32, #tpu.memory_space<vmem>>
    %dma_wait3A_850 = tpu.memref_squeeze %dma_wait3A_849 : memref<1x4096xf32, #tpu.memory_space<vmem>> -> memref<4096xf32, #tpu.memory_space<vmem>>
    tpu.wait_dma2 semaphore(%arg45 : memref<!tpu.dma_semaphore, #tpu.memory_space<semaphore_mem>>) src(%dma_wait3A_850 : memref<4096xf32, #tpu.memory_space<vmem>>) dst(%dma_wait3A_847 : memref<4096xf32, #tpu.memory_space<any>>)
    %dma_wait3A_851 = arith.constant 0 : i32
    %dma_wait3A_852 = arith.constant 69632 : i32
    %dma_wait3A_853 = tpu.memref_slice %arg4[%dma_wait3A_852] : memref<100096xf32, #tpu.memory_space<any>> -> memref<4096xf32, #tpu.memory_space<any>>
    %dma_wait3A_854 = arith.constant 0 : i32
    %dma_wait3A_855 = tpu.memref_slice %arg22[%dma_wait3A_851, %dma_wait3A_854] : memref<1x4096xf32, #tpu.memory_space<vmem>> -> memref<1x4096xf32, #tpu.memory_space<vmem>>
    %dma_wait3A_856 = tpu.memref_squeeze %dma_wait3A_855 : memref<1x4096xf32, #tpu.memory_space<vmem>> -> memref<4096xf32, #tpu.memory_space<vmem>>
    tpu.wait_dma2 semaphore(%arg46 : memref<!tpu.dma_semaphore, #tpu.memory_space<semaphore_mem>>) src(%dma_wait3A_856 : memref<4096xf32, #tpu.memory_space<vmem>>) dst(%dma_wait3A_853 : memref<4096xf32, #tpu.memory_space<any>>)
    %dma_wait3A_857 = arith.constant 0 : i32
    %dma_wait3A_858 = arith.constant 73728 : i32
    %dma_wait3A_859 = tpu.memref_slice %arg4[%dma_wait3A_858] : memref<100096xf32, #tpu.memory_space<any>> -> memref<4096xf32, #tpu.memory_space<any>>
    %dma_wait3A_860 = arith.constant 0 : i32
    %dma_wait3A_861 = tpu.memref_slice %arg23[%dma_wait3A_857, %dma_wait3A_860] : memref<1x4096xf32, #tpu.memory_space<vmem>> -> memref<1x4096xf32, #tpu.memory_space<vmem>>
    %dma_wait3A_862 = tpu.memref_squeeze %dma_wait3A_861 : memref<1x4096xf32, #tpu.memory_space<vmem>> -> memref<4096xf32, #tpu.memory_space<vmem>>
    tpu.wait_dma2 semaphore(%arg47 : memref<!tpu.dma_semaphore, #tpu.memory_space<semaphore_mem>>) src(%dma_wait3A_862 : memref<4096xf32, #tpu.memory_space<vmem>>) dst(%dma_wait3A_859 : memref<4096xf32, #tpu.memory_space<any>>)
    %dma_wait3A_863 = arith.constant 0 : i32
    %dma_wait3A_864 = arith.constant 77824 : i32
    %dma_wait3A_865 = tpu.memref_slice %arg4[%dma_wait3A_864] : memref<100096xf32, #tpu.memory_space<any>> -> memref<4096xf32, #tpu.memory_space<any>>
    %dma_wait3A_866 = arith.constant 0 : i32
    %dma_wait3A_867 = tpu.memref_slice %arg24[%dma_wait3A_863, %dma_wait3A_866] : memref<1x4096xf32, #tpu.memory_space<vmem>> -> memref<1x4096xf32, #tpu.memory_space<vmem>>
    %dma_wait3A_868 = tpu.memref_squeeze %dma_wait3A_867 : memref<1x4096xf32, #tpu.memory_space<vmem>> -> memref<4096xf32, #tpu.memory_space<vmem>>
    tpu.wait_dma2 semaphore(%arg48 : memref<!tpu.dma_semaphore, #tpu.memory_space<semaphore_mem>>) src(%dma_wait3A_868 : memref<4096xf32, #tpu.memory_space<vmem>>) dst(%dma_wait3A_865 : memref<4096xf32, #tpu.memory_space<any>>)
    %dma_wait3A_869 = arith.constant 0 : i32
    %dma_wait3A_870 = arith.constant 81920 : i32
    %dma_wait3A_871 = tpu.memref_slice %arg4[%dma_wait3A_870] : memref<100096xf32, #tpu.memory_space<any>> -> memref<4096xf32, #tpu.memory_space<any>>
    %dma_wait3A_872 = arith.constant 0 : i32
    %dma_wait3A_873 = tpu.memref_slice %arg25[%dma_wait3A_869, %dma_wait3A_872] : memref<1x4096xf32, #tpu.memory_space<vmem>> -> memref<1x4096xf32, #tpu.memory_space<vmem>>
    %dma_wait3A_874 = tpu.memref_squeeze %dma_wait3A_873 : memref<1x4096xf32, #tpu.memory_space<vmem>> -> memref<4096xf32, #tpu.memory_space<vmem>>
    tpu.wait_dma2 semaphore(%arg49 : memref<!tpu.dma_semaphore, #tpu.memory_space<semaphore_mem>>) src(%dma_wait3A_874 : memref<4096xf32, #tpu.memory_space<vmem>>) dst(%dma_wait3A_871 : memref<4096xf32, #tpu.memory_space<any>>)
    %dma_wait3A_875 = arith.constant 0 : i32
    %dma_wait3A_876 = arith.constant 86016 : i32
    %dma_wait3A_877 = tpu.memref_slice %arg4[%dma_wait3A_876] : memref<100096xf32, #tpu.memory_space<any>> -> memref<4096xf32, #tpu.memory_space<any>>
    %dma_wait3A_878 = arith.constant 0 : i32
    %dma_wait3A_879 = tpu.memref_slice %arg26[%dma_wait3A_875, %dma_wait3A_878] : memref<1x4096xf32, #tpu.memory_space<vmem>> -> memref<1x4096xf32, #tpu.memory_space<vmem>>
    %dma_wait3A_880 = tpu.memref_squeeze %dma_wait3A_879 : memref<1x4096xf32, #tpu.memory_space<vmem>> -> memref<4096xf32, #tpu.memory_space<vmem>>
    tpu.wait_dma2 semaphore(%arg50 : memref<!tpu.dma_semaphore, #tpu.memory_space<semaphore_mem>>) src(%dma_wait3A_880 : memref<4096xf32, #tpu.memory_space<vmem>>) dst(%dma_wait3A_877 : memref<4096xf32, #tpu.memory_space<any>>)
    %dma_wait3A_881 = arith.constant 0 : i32
    %dma_wait3A_882 = arith.constant 90112 : i32
    %dma_wait3A_883 = tpu.memref_slice %arg4[%dma_wait3A_882] : memref<100096xf32, #tpu.memory_space<any>> -> memref<4096xf32, #tpu.memory_space<any>>
    %dma_wait3A_884 = arith.constant 0 : i32
    %dma_wait3A_885 = tpu.memref_slice %arg27[%dma_wait3A_881, %dma_wait3A_884] : memref<1x4096xf32, #tpu.memory_space<vmem>> -> memref<1x4096xf32, #tpu.memory_space<vmem>>
    %dma_wait3A_886 = tpu.memref_squeeze %dma_wait3A_885 : memref<1x4096xf32, #tpu.memory_space<vmem>> -> memref<4096xf32, #tpu.memory_space<vmem>>
    tpu.wait_dma2 semaphore(%arg51 : memref<!tpu.dma_semaphore, #tpu.memory_space<semaphore_mem>>) src(%dma_wait3A_886 : memref<4096xf32, #tpu.memory_space<vmem>>) dst(%dma_wait3A_883 : memref<4096xf32, #tpu.memory_space<any>>)
    %dma_wait3A_887 = arith.constant 0 : i32
    %dma_wait3A_888 = arith.constant 94208 : i32
    %dma_wait3A_889 = tpu.memref_slice %arg4[%dma_wait3A_888] : memref<100096xf32, #tpu.memory_space<any>> -> memref<4096xf32, #tpu.memory_space<any>>
    %dma_wait3A_890 = arith.constant 0 : i32
    %dma_wait3A_891 = tpu.memref_slice %arg28[%dma_wait3A_887, %dma_wait3A_890] : memref<1x4096xf32, #tpu.memory_space<vmem>> -> memref<1x4096xf32, #tpu.memory_space<vmem>>
    %dma_wait3A_892 = tpu.memref_squeeze %dma_wait3A_891 : memref<1x4096xf32, #tpu.memory_space<vmem>> -> memref<4096xf32, #tpu.memory_space<vmem>>
    tpu.wait_dma2 semaphore(%arg52 : memref<!tpu.dma_semaphore, #tpu.memory_space<semaphore_mem>>) src(%dma_wait3A_892 : memref<4096xf32, #tpu.memory_space<vmem>>) dst(%dma_wait3A_889 : memref<4096xf32, #tpu.memory_space<any>>)
    %dma_wait3A_893 = arith.constant 0 : i32
    %dma_wait3A_894 = arith.constant 98304 : i32
    %dma_wait3A_895 = tpu.memref_slice %arg4[%dma_wait3A_894] : memref<100096xf32, #tpu.memory_space<any>> -> memref<1792xf32, #tpu.memory_space<any>>
    %dma_wait3A_896 = arith.constant 0 : i32
    %dma_wait3A_897 = tpu.memref_slice %arg17[%dma_wait3A_893, %dma_wait3A_896] : memref<1x4096xf32, #tpu.memory_space<vmem>> -> memref<1x1792xf32, #tpu.memory_space<vmem>>
    %dma_wait3A_898 = tpu.memref_squeeze %dma_wait3A_897 : memref<1x1792xf32, #tpu.memory_space<vmem>> -> memref<1792xf32, #tpu.memory_space<vmem>>
    tpu.wait_dma2 semaphore(%arg41 : memref<!tpu.dma_semaphore, #tpu.memory_space<semaphore_mem>>) src(%dma_wait3A_898 : memref<1792xf32, #tpu.memory_space<vmem>>) dst(%dma_wait3A_895 : memref<1792xf32, #tpu.memory_space<any>>)
    return
  }
}

</mosaic_0001>

<sc_bundles>
// kernel: kernel.4.cloned.1.call-start
scs
__scs_entry_jumppad:
0x0: {  	(pc) =	sbr.rel $0x88, $3  }
0x1: {  	(tag) =	ssettag $0x0;
	lr =	simm.s32 $0x1  }
0x2: {  	[smem:$0x3F9D] =	sst lr;
	_ =	strace $0xD0000000  }
0x3: {  	_ = 	snop  }
0x4: {  	_ = 	snop  }
0x5: {  	_ = 	snop  }
0x6: {  	_ = 	snop  }
0x7: {  	_ = 	snop  }
__scs_overlays_trampoline_lowered:
0x8: {  	[smem:$0x3FAC] =	sst s0  }
0x9: {  	[smem:$0x3FAD] =	sst s1  }
0xa: {  	[smem:$0x3FAE] =	sst s2  }
0xb: {  	[smem:$0x3FAF] =	sst s3  }
0xc: {  	[smem:$0x3FB0] =	sst s4  }
0xd: {  	[smem:$0x3FB1] =	sst s5  }
0xe: {  	[smem:$0x3FB2] =	sst s6  }
0xf: {  	[smem:$0x3FB3] =	sst s7  }
0x10: {  	[smem:$0x3FB4] =	sst s8  }
0x11: {  	[smem:$0x3FB5] =	sst s9;
	s0 =	simm.s32 @!p0 $0x0  }
0x12: {  	s1 =	sld [smem:$0x3F9B];
	s0 =	simm.s32 @p0 $0x1  }
0x13: {  	[smem:$0x3FB6] =	sst s0;
	s0 =	simm.s32 @!p1 $0x0  }
0x14: {  	s2 =	sld [smem:$0x3F9A];
	s0 =	simm.s32 @p1 $0x1  }
0x15: {  	[smem:$0x3FB7] =	sst s0;
	s0 =	simm.s32 @!p2 $0x0  }
0x16: {  	s3 =	sld [smem:$0x3FDB];
	s0 =	simm.s32 @p2 $0x1  }
0x17: {  	s4 =	simm.s32 $0x1BF5;
	[smem:$0x3FB9] =	sst s0  }
0x18: {  	s0 =	sld [smem:$0x3F9C];
	_ =	swait.ge [sflag:s4], $0x0  }
0x19: {  	s7 =	sld [smem:$0x3F9D]  }
0x1a: {  	s8 =	sadd.s32 $0xFFFFE003, lr  }
0x1b: {  	s9 =	sadd.s32 $0xFFFFFEF7, lr;
	s5 =	simm.s32 $0xFFFFFFFF;
	p2 =	slt.u32 s8, $0xFFFFF086  }
0x1c: {  	p1 =	slt.u32 s9, $0xF7A;
	s5 =	simm.s32 @!p2 $0x0  }
0x1d: {  	s5 =	simm.s32 @p1 $0x1;
	p0 =	seq.s32 s7, s2  }
0x1e: {  	s7 =	smul.u32 @!p0 $0xF7A, s2;
	p2 =	seq.s32 @!p0 s5, $0x0  }
0x1f: {  	s9 =	smul.u32 $0xF7A, s1;
	s8 =	simm.s32 @!p0 $0x1BF5;
	p2 =	por !p2, p0  }
0x20: {  	[sflag:s8] =	ssyncset.s32 @!p0 $0xFFFFF086;
	s6 =	sadd.s32 @!p0 s3, s7;
	s7 =	simm.s32 @!p0 $0x108  }
0x21: {  	s3 =	sadd.s32 s3, s9;
	s6 =	sadd.s32 @!p0 $0x88, s6;
	s7 =	simm.s32 @p2 $0x1082  }
0x22: {  	[simem:s7], [sflag:s8] =	dma.local @!p0 [hbm:s6], $0xF7A  }
0x23: {  	s9 =	sor.u32 $0xD0000000, s2;
	s6 =	simm.s32 $0x108;
	_ =	swait.ge @!p0 [sflag:s8], $0x0  }
0x24: {  	s3 =	sadd.s32 $0x88, s3;
	s6 =	simm.s32 @!p1 $0x1082;
	[sflag:s4] =	ssyncset.s32 $0xFFFFF086  }
0x25: {  	[simem:s6], [sflag:s4] =	dma.local [hbm:s3], $0xF7A  }
0x26: {  	[smem:$0x3F9D] =	sst s1;
	(tag) =	ssettag s2;
	_ =	strace s9  }
0x27: {  	s1 =	sld [smem:$0x3FAD]  }
0x28: {  	s2 =	sld [smem:$0x3FAE]  }
0x29: {  	s4 =	sld [smem:$0x3FB0]  }
0x2a: {  	p0 =	seq.s32 s5, $0x0;
	s5 =	sld [smem:$0x3FB1]  }
0x2b: {  	s6 =	sld [smem:$0x3FB2]  }
0x2c: {  	s7 =	sld [smem:$0x3FB3]  }
0x2d: {  	s3 =	simm.s32 $0x108;
	s8 =	sld [smem:$0x3FB4]  }
0x2e: {  	s3 =	simm.s32 @!p0 $0x1082;
	s9 =	sld [smem:$0x3FB5]  }
0x2f: {  	lr =	sadd.s32 s0, s3;
	s0 =	sld [smem:$0x3FAC]  }
0x30: {  	s3 =	sld [smem:$0x3FAF]  }
0x31: {  	[smem:$0x3FB8] =	sst s10  }
0x32: {  	s10 =	sld [smem:$0x3FB6];
	_ =	sdelay $0x3  }
0x33: {  	p0 =	seq.s32 s10, $0x1;
	s10 =	sld [smem:$0x3FB8];
	_ =	sdelay $0x3  }
0x34: {  	[smem:$0x3FB8] =	sst s10  }
0x35: {  	s10 =	sld [smem:$0x3FB7];
	_ =	sdelay $0x3  }
0x36: {  	p1 =	seq.s32 s10, $0x1;
	s10 =	sld [smem:$0x3FB8];
	_ =	sdelay $0x3  }
0x37: {  	[smem:$0x3FB8] =	sst s10  }
0x38: {  	s10 =	sld [smem:$0x3FB9]  }
0x39: {  	_ = 	snop;
	(pc) =	sbr.ind lr, $3  }
0x3a: {  	_ = 	snop  }
0x3b: {  	_ = 	snop  }
0x3c: {  	p2 =	seq.s32 s10, $0x1;
	s10 =	sld [smem:$0x3FB8]  }
0x3d: {  	_ =	shalt  }
0x3e: {  	_ =	shalt  }
0x3f: {  	_ =	shalt  }
0x40: {  	_ =	shalt  }
0x41: {  	_ =	shalt  }
0x42: {  	_ =	shalt  }
0x43: {  	_ =	shalt  }
0x44: {  	_ =	shalt  }
0x45: {  	_ =	shalt  }
0x46: {  	_ =	shalt  }
0x47: {  	_ =	shalt  }
0x48: {  	_ =	shalt  }
0x49: {  	_ =	shalt  }
0x4a: {  	_ =	shalt  }
0x4b: {  	_ =	shalt  }
0x4c: {  	_ =	shalt  }
0x4d: {  	_ =	shalt  }
0x4e: {  	_ =	shalt  }
0x4f: {  	_ =	shalt  }
0x50: {  	_ =	shalt  }
0x51: {  	_ =	shalt  }
0x52: {  	_ =	shalt  }
0x53: {  	_ =	shalt  }
0x54: {  	_ =	shalt  }
0x55: {  	_ =	shalt  }
0x56: {  	_ =	shalt  }
0x57: {  	_ =	shalt  }
0x58: {  	_ =	shalt  }
0x59: {  	_ =	shalt  }
0x5a: {  	_ =	shalt  }
0x5b: {  	_ =	shalt  }
0x5c: {  	_ =	shalt  }
0x5d: {  	_ =	shalt  }
0x5e: {  	_ =	shalt  }
0x5f: {  	_ =	shalt  }
0x60: {  	_ =	shalt  }
0x61: {  	_ =	shalt  }
0x62: {  	_ =	shalt  }
0x63: {  	_ =	shalt  }
0x64: {  	_ =	shalt  }
0x65: {  	_ =	shalt  }
0x66: {  	_ =	shalt  }
0x67: {  	_ =	shalt  }
0x68: {  	_ =	shalt  }
0x69: {  	_ =	shalt  }
0x6a: {  	_ =	shalt  }
0x6b: {  	_ =	shalt  }
0x6c: {  	_ =	shalt  }
0x6d: {  	_ =	shalt  }
0x6e: {  	_ =	shalt  }
0x6f: {  	_ =	shalt  }
0x70: {  	_ =	shalt  }
0x71: {  	_ =	shalt  }
0x72: {  	_ =	shalt  }
0x73: {  	_ =	shalt  }
0x74: {  	_ =	shalt  }
0x75: {  	_ =	shalt  }
0x76: {  	_ =	shalt  }
0x77: {  	_ =	shalt  }
0x78: {  	_ =	shalt  }
0x79: {  	_ =	shalt  }
0x7a: {  	_ =	shalt  }
0x7b: {  	_ =	shalt  }
0x7c: {  	_ =	shalt  }
0x7d: {  	_ =	shalt  }
0x7e: {  	_ =	shalt  }
0x7f: {  	_ =	shalt  }
0x80: {  	_ =	shalt  }
0x81: {  	_ =	shalt  }
0x82: {  	_ =	shalt  }
0x83: {  	_ =	shalt  }
0x84: {  	_ =	shalt  }
0x85: {  	_ =	shalt  }
0x86: {  	_ =	shalt  }
0x87: {  	_ =	shalt  }
.Lfunc_end0:
.L_simem_size_0:
called_computation_lowered:
.L_overlay_start_0:
0x88: {  	s2 =	sld [smem:$0x3FD9]  }
0x89: {  	s3 =	sld [smem:$0x3FFE];
	_ =	sdelay $0x1  }
0x8a: {  	s1 =	srdreg.scid  }
0x8b: {  	s0 =	sand.u32 $0x1, s1  }
0x8c: {  	s17 =	sshll.u32 s0, $0xA;
	s2 =	sadd.s32 s3, s2  }
0x8d: {  	s2 =	sadd.s32 s2, s17  }
0x8e: {  	[smem:$0x3FC4] =	sst s2  }
0x8f: {  	_ = 	snop  }
0x90: {  	s2 =	sld [smem:$0x3FC9]  }
0x91: {  	s18 =	sld [smem:$0x3FD0];
	(tm) =	ssettm $0x1  }
0x92: {  	s4 =	sld [smem:$0x3FFB];
	_ =	sdelay $0x3  }
0x93: {  	_ =	strace s4  }
0x94: {  	s4 =	sld [smem:$0x3FFC];
	_ =	sdelay $0x3  }
0x95: {  	_ =	strace s4  }
0x96: {  	s4 =	sld [smem:$0x3FFD];
	_ =	sdelay $0x3  }
0x97: {  	_ =	strace s4  }
0x98: {  	_ =	strace $0x8FFFFFFF  }
0x99: {  	s19 =	sld [smem:$0x3FDB];
	_ =	sdelay $0x1  }
0x9a: {  	s5 =	simm.s32 $_scs_section_size  }
0x9b: {  	s6 =	simm.s32 $_size__tile_overlayer_lowered;
	s7 =	simm.s32 $_tile_overlayer_lowered  }
0x9c: {  	s22 =	simm.s32 $0x1BFF;
	s21 =	sshll.u32 s7, $0x1;
	s4 =	sadd.s32 s5, s19  }
0x9d: {  	s8 =	simm.s32 $0x0;
	s20 =	sshll.u32 s6, $0x1;
	s6 =	sadd.s32 s21, s4  }
0x9e: {  	[timem:s8], [sflag:s22] =	dma.local [hbm:s6], s20  }
0x9f: {  	_ =	swait.ge [sflag:s22], s20  }
0xa0: {  	s5 =	ssub.s32 $0x0, s20;
	[sflag:s22] =	ssyncset.done $0x0  }
0xa1: {  	[sflag:s22] =	ssyncadd.s32 s5;
	_ =	sdelay $0x1  }
0xa2: {  	s23 =	simm.s32 $0x1B8B  }
0xa3: {  	_ =	swait.ge [sflag:s23], $0x1  }
0xa4: {  	[sflag:s23] =	ssyncset.done $0x0  }
0xa5: {  	s25 =	simm.s32 $0x1B8E;
	s24 =	sld [smem:$0x3FFE];
	[sflag:s23] =	ssyncadd.s32 $0xFFFFFFFF  }
0xa6: {  	s26 =	simm.s32 $execute0_lowered;
	[smem:$0x3FD2] =	sst s25  }
0xa7: {  	s6 =	sshll.u32 s26, $0x1;
	_ =	strace $0x80000046;
	[dreg:$0x1] =	wrdreg $0xFFFFFFFF  }
0xa8: {  	s28 =	simm.s32 $_size_execute0_lowered;
	s4 =	sadd.s32 s4, s6;
	[dreg:$0x0] =	wrdreg $0x0  }
0xa9: {  	s6 =	sshll.u32 s28, $0x1;
	[dreg:$0x2] =	wrdreg s4  }
0xaa: {  	[dreg:$0x3] =	wrdreg s6  }
0xab: {  	[dreg:$0x4] =	wrdreg $0xC0  }
0xac: {  	_ =	task [dreg:s8], $0x5FFFF  }
0xad: {  	[dreg:$0x1] =	wrdreg $0xFFFFFFFF  }
0xae: {  	[dreg:$0x0] =	wrdreg $0x60  }
0xaf: {  	[dreg:$0x2] =	wrdreg s2  }
0xb0: {  	[dreg:$0x3] =	wrdreg s24  }
0xb1: {  	[dreg:$0x4] =	wrdreg s18  }
0xb2: {  	[dreg:$0x5] =	wrdreg $0x9  }
0xb3: {  	_ =	task.clear_ibuf [dreg:s8], $0x6FFFF;
	_ =	strace $0x90000046  }
0xb4: {  	s29 =	simm.s32 $0x9;
	_ =	strace $0x80000048  }
0xb5: {  	_ =	swait.ge [sflag:s29], $0x1  }
0xb6: {  	[sflag:s29] =	ssyncadd.s32 $0xFFFFFFFF  }
0xb7: {  	_ =	strace $0x90000048  }
0xb8: {  	_ =	sfence  }
0xb9: {  	s30 =	sld [smem:$0x0];
	_ =	sdelay $0x2  }
0xba: {  	s31 =	sshll.u32 s1, $0xD;
	s1 =	sshrl.u32 s1, $0x2  }
0xbb: {  	s3 =	sand.u32 $0x4000, s31;
	s1 =	sadd.s32 s1, s30  }
0xbc: {  	s0 =	sor.u32 s3, s0;
	s1 =	sshll.u32 s1, $0x11  }
0xbd: {  	s0 =	sor.u32 s1, s0  }
0xbe: {  	s0 =	sadd.s32 $0x8F2B, s0  }
0xbf: {  	[sflag:s0] =	ssyncadd.remote.s32 $0x1  }
0xc0: {  	_ =	sfence.sel $0xFFFF  }
0xc1: {  	[dreg:$0x0] =	wrdreg $0xFFFFFFFF;
	(pc) =	sbr.abs _section_cstart, $3  }
0xc2: {  	[dreg:$0x1] =	wrdreg $0xFFFFFFFF  }
0xc3: {  	_ =	task.clear_ibuf [dreg:s8], $0x2FFFF;
	_ =	strace $0x9FFFFFFF  }
0xc4: {  	(tm) =	ssettm $0x7FFFFFFF  }
0xc5: {  	_ =	shalt  }
tec
execute0_lowered:
.L_overlay_start_1:
0x0: {  	(tag) =	ssettag $0x1  }
0x1: {  	s4 =	rddreg [dreg:$0x0]  }
0x2: {  	s3 =	rddreg [dreg:$0x1]  }
0x3: {  	s5 =	rddreg [dreg:$0x2]  }
0x4: {  	s0 =	rddreg [dreg:$0x3];
	s2 =	simm.s32 $0x0  }
0x5: {  	s6 =	srdreg.scid;
	s1 =	stileid.u32;
	s10 =	simm.s32 $0x1  }
0x6: {  	s11 =	simm.s32 $0x2;
	s12 =	simm.s32 $0x1EB00;
	s13 =	simm.s32 $0x3  }
0x7: {  	s14 =	simm.s32 $0x0;
	[smem:$0x7FF] =	sst s2;
	s6 =	sand.u32 $0x1, s6  }
0x8: {  	s7 =	sshll.u32 s1, $0x1;
	s3 =	sadd.s32 $0x800, s3;
	s8 =	ssub.s32 $0x2, s6  }
0x9: {  	_ =	strace $0x80000047;
	s6 =	sor.u32 s6, s7;
	s31 =	sshrl.u32 s8, $0x1  }
0xa: {  	s9 =	sshll.u32 s6, $0x7;
	s6 =	sshll.u32 s6, $0x4;
	s7 =	ssub.s32 s8, s31  }
0xb: {  	s4 =	sadd.s32 s4, s9;
	s5 =	sadd.s32 s5, s6;
	s8 =	simm.s32 $0x8000  }
0xc: {  	s9 =	simm.s32 $0x18700;
	s6 =	smax.u32 s7, $0x1;
	s7 =	simm.s32 $0x400  }
.LBB2_1:
0xd: {  	[tilespmem:s2], [sflag:$0x1] =	stream.linear.gather [hbm4b:s3+s2], $0x18700, $0x38;
	[tilespmem:$0x1EB80] =	vst v63  }
0xe: {  	_ = 	snop  }
0xf: {  	[tilespmem:s9], [sflag:$0x2] =	stream.strided.gather [hbm4b:s4+s7], $0x6400, s8, s7, $0x38;
	[tilespmem:$0x1EB80] =	vst v63  }
0x10: {  	_ =	swait.ge [sflag:s10], $0x18700  }
0x11: {  	[sflag:s10] =	ssyncset.done $0x0  }
0x12: {  	[sflag:s10] =	ssyncadd.s32 $0xFFFE7900  }
0x13: {  	_ =	swait.ge [sflag:s11], $0x6400  }
0x14: {  	[sflag:s11] =	ssyncset.done $0x0  }
0x15: {  	s15 =	simm.s32 $0x18840;
	[sflag:s11] =	ssyncadd.s32 $0xFFFF9C00  }
0x16: {  	v0 =	vld [tilespmem:s15+$0xC0]  }
0x17: {  	v1 =	vld [tilespmem:s15+$0xD0]  }
0x18: {  	v2 =	vld [tilespmem:s15+$0xE0]  }
0x19: {  	v3 =	vld [tilespmem:s15+$0xF0]  }
0x1a: {  	v4 =	vld [tilespmem:s15+$0x100]  }
0x1b: {  	v5 =	vld [tilespmem:s15+$0x110]  }
0x1c: {  	v8 =	vld [tilespmem:s15+$0x120]  }
0x1d: {  	v20 =	vld [tilespmem:s15+$0x130]  }
0x1e: {  	v6 =	vld [tilespmem:s15+$0x40]  }
0x1f: {  	v7 =	vld [tilespmem:s15+$0x50]  }
0x20: {  	v9 =	vld [tilespmem:s15+$0x60]  }
0x21: {  	v10 =	vld [tilespmem:s15+$0x70]  }
0x22: {  	v11 =	vld [tilespmem:s15+$0x80]  }
0x23: {  	v12 =	vld [tilespmem:s15+$0x90]  }
0x24: {  	v13 =	vld [tilespmem:s15+$0xA0]  }
0x25: {  	v14 =	vld [tilespmem:s15+$0xB0]  }
0x26: {  	v15 =	vld [tilespmem:s15+$0xFFFFFFC0]  }
0x27: {  	v16 =	vld [tilespmem:s15+$0xFFFFFFD0]  }
0x28: {  	v17 =	vld [tilespmem:s15+$0xFFFFFFE0]  }
0x29: {  	v18 =	vld [tilespmem:s15+$0xFFFFFFF0]  }
0x2a: {  	v19 =	vld [tilespmem:s15+$0x0]  }
0x2b: {  	v21 =	vld [tilespmem:s15+$0x10]  }
0x2c: {  	v22 =	vld [tilespmem:s15+$0x20]  }
0x2d: {  	v23 =	vld [tilespmem:s15+$0x30]  }
0x2e: {  	v24 =	vld [tilespmem:s15+$0xFFFFFF40]  }
0x2f: {  	v25 =	vld [tilespmem:s15+$0xFFFFFF50]  }
0x30: {  	v26 =	vld [tilespmem:s15+$0xFFFFFF60]  }
0x31: {  	v27 =	vld [tilespmem:s15+$0xFFFFFF70]  }
0x32: {  	v28 =	vld [tilespmem:s15+$0xFFFFFF80]  }
0x33: {  	v29 =	vld [tilespmem:s15+$0xFFFFFF90]  }
0x34: {  	v30 =	vld [tilespmem:s15+$0xFFFFFFA0]  }
0x35: {  	v31 =	vld [tilespmem:s15+$0xFFFFFFB0]  }
0x36: {  	v32 =	vld [tilespmem:s15+$0xFFFFFEC0]  }
0x37: {  	v33 =	vld [tilespmem:s15+$0xFFFFFED0]  }
0x38: {  	v34 =	vld [tilespmem:s15+$0xFFFFFEE0]  }
0x39: {  	v35 =	vld [tilespmem:s15+$0xFFFFFEF0]  }
0x3a: {  	v36 =	vld [tilespmem:s15+$0xFFFFFF00]  }
0x3b: {  	v37 =	vld [tilespmem:s15+$0xFFFFFF10]  }
0x3c: {  	v38 =	vld [tilespmem:s15+$0xFFFFFF20]  }
0x3d: {  	v39 =	vld [tilespmem:s15+$0xFFFFFF30]  }
0x3e: {  	v40 =	vld.idx.msk [tilespmem:v0+s2+$0x0], $0xffff  }
0x3f: {  	v41 =	vld.idx.msk [tilespmem:v1+s2+$0x0], $0xffff  }
0x40: {  	v2 =	vld.idx.msk [tilespmem:v2+s2+$0x0], $0xffff  }
0x41: {  	v42 =	vld.idx.msk [tilespmem:v3+s2+$0x0], $0xffff  }
0x42: {  	v1 =	vld.idx.msk [tilespmem:v4+s2+$0x0], $0xffff  }
0x43: {  	v0 =	vld.idx.msk [tilespmem:v5+s2+$0x0], $0xffff  }
0x44: {  	v4 =	vld.idx.msk [tilespmem:v6+s2+$0x0], $0xffff  }
0x45: {  	v5 =	vld.idx.msk [tilespmem:v7+s2+$0x0], $0xffff  }
0x46: {  	v7 =	vld.idx.msk [tilespmem:v9+s2+$0x0], $0xffff  }
0x47: {  	v9 =	vld.idx.msk [tilespmem:v10+s2+$0x0], $0xffff  }
0x48: {  	v6 =	vld.idx.msk [tilespmem:v11+s2+$0x0], $0xffff  }
0x49: {  	v3 =	vld.idx.msk [tilespmem:v12+s2+$0x0], $0xffff  }
0x4a: {  	v10 =	vld.idx.msk [tilespmem:v15+s2+$0x0], $0xffff  }
0x4b: {  	v11 =	vld.idx.msk [tilespmem:v16+s2+$0x0], $0xffff  }
0x4c: {  	v12 =	vld.idx.msk [tilespmem:v17+s2+$0x0], $0xffff  }
0x4d: {  	v15 =	vld.idx.msk [tilespmem:v18+s2+$0x0], $0xffff  }
0x4e: {  	v18 =	vld.idx.msk [tilespmem:v24+s2+$0x0], $0xffff  }
0x4f: {  	v45 =	vld.idx.msk [tilespmem:v25+s2+$0x0], $0xffff  }
0x50: {  	v46 =	vld.idx.msk [tilespmem:v32+s2+$0x0], $0xffff  }
0x51: {  	v47 =	vld.idx.msk [tilespmem:v33+s2+$0x0], $0xffff  }
0x52: {  	v48 =	vld.idx.msk [tilespmem:v34+s2+$0x0], $0xffff  }
0x53: {  	v49 =	vld.idx.msk [tilespmem:v35+s2+$0x0], $0xffff  }
0x54: {  	v26 =	vld.idx.msk [tilespmem:v26+s2+$0x0], $0xffff  }
0x55: {  	v60 =	vld.idx.msk [tilespmem:v39+s2+$0x0], $0xffff  }
0x56: {  	v27 =	vld.idx.msk [tilespmem:v27+s2+$0x0], $0xffff  }
0x57: {  	v50 =	vimm.f32 $0.0e+00;
	v17 =	vld.idx.msk [tilespmem:v19+s2+$0x0], $0xffff  }
0x58: {  	v16 =	vld.idx.msk [tilespmem:v21+s2+$0x0], $0xffff;
	v19 =	vadd.f32 v46, v50;
	v51 =	vadd.f32 v47, v50  }
0x59: {  	v52 =	vld.idx.msk [tilespmem:v28+s2+$0x0], $0xffff;
	v53 =	vadd.f32 v48, v50;
	v54 =	vadd.f32 v49, v50  }
0x5a: {  	v29 =	vld.idx.msk [tilespmem:v29+s2+$0x0], $0xffff;
	v63 =	vadd.f32 v60, v50;
	v18 =	vadd.f32 v18, v19  }
0x5b: {  	v56 =	vld.idx.msk [tilespmem:v37+s2+$0x0], $0xffff;
	v19 =	vadd.f32 v45, v51;
	v57 =	vadd.f32 v26, v53  }
0x5c: {  	v55 =	vld.idx.msk [tilespmem:v36+s2+$0x0], $0xffff;
	v58 =	vadd.f32 v27, v54;
	v10 =	vadd.f32 v10, v18  }
0x5d: {  	v59 =	vld.idx.msk [tilespmem:v38+s2+$0x0], $0xffff;
	v11 =	vadd.f32 v11, v19;
	v12 =	vadd.f32 v12, v57  }
0x5e: {  	v61 =	vld.idx.msk [tilespmem:v30+s2+$0x0], $0xffff;
	v15 =	vadd.f32 v15, v58;
	v4 =	vadd.f32 v4, v10  }
0x5f: {  	v62 =	vld.idx.msk [tilespmem:v31+s2+$0x0], $0xffff;
	v5 =	vadd.f32 v5, v11;
	v10 =	vadd.f32 v7, v12  }
0x60: {  	v19 =	vld.idx.msk [tilespmem:v22+s2+$0x0], $0xffff;
	v9 =	vadd.f32 v9, v15;
	v12 =	vadd.f32 v56, v50  }
0x61: {  	v18 =	vld.idx.msk [tilespmem:v23+s2+$0x0], $0xffff;
	v7 =	vadd.f32 v40, v4;
	v4 =	vadd.f32 v2, v10  }
0x62: {  	v11 =	vld.idx.msk [tilespmem:v13+s2+$0x0], $0xffff;
	v2 =	vadd.f32 v42, v9;
	v9 =	vadd.f32 v55, v50  }
0x63: {  	v13 =	vadd.f32 v59, v50;
	v5 =	vadd.f32 v41, v5;
	v10 =	vld.idx.msk [tilespmem:v14+s2+$0x0], $0xffff  }
0x64: {  	v14 =	vadd.f32 v29, v12;
	v15 =	vadd.f32 v52, v9;
	v9 =	vld.idx.msk [tilespmem:v8+s2+$0x0], $0xffff  }
0x65: {  	s16 =	simm.s32 $0x18AC0;
	s15 =	simm.s32 $0x0;
	v13 =	vadd.f32 v61, v13;
	v12 =	vadd.f32 v62, v63;
	v8 =	vld.idx.msk [tilespmem:v20+s2+$0x0], $0xffff  }
.LBB2_2:
0x66: {  	v20 =	vld [tilespmem:s16+$0xC0];
	v15 =	vadd.f32 v17, v15;
	v14 =	vadd.f32 v16, v14  }
0x67: {  	v16 =	vld [tilespmem:s16+$0xD0];
	v13 =	vadd.f32 v19, v13;
	v12 =	vadd.f32 v18, v12  }
0x68: {  	v17 =	vld [tilespmem:s16+$0xE0];
	v6 =	vadd.f32 v6, v15;
	v3 =	vadd.f32 v3, v14  }
0x69: {  	v18 =	vld [tilespmem:s16+$0xF0];
	v13 =	vadd.f32 v11, v13;
	v14 =	vadd.f32 v10, v12  }
0x6a: {  	v19 =	vld [tilespmem:s16+$0x100];
	v10 =	vadd.f32 v1, v6;
	v11 =	vadd.f32 v0, v3  }
0x6b: {  	v0 =	vld [tilespmem:s16+$0x110];
	v12 =	vadd.f32 v9, v13;
	v13 =	vadd.f32 v8, v14  }
0x6c: {  	v9 =	vld [tilespmem:s16+$0x120]  }
0x6d: {  	v8 =	vld [tilespmem:s16+$0x130]  }
0x6e: {  	v3 =	vld [tilespmem:s16+$0x40]  }
0x6f: {  	v6 =	vld [tilespmem:s16+$0x50]  }
0x70: {  	v21 =	vld [tilespmem:s16+$0x60]  }
0x71: {  	v22 =	vld [tilespmem:s16+$0x70]  }
0x72: {  	v23 =	vld [tilespmem:s16+$0x80]  }
0x73: {  	v24 =	vld [tilespmem:s16+$0x90]  }
0x74: {  	v15 =	vld [tilespmem:s16+$0xA0]  }
0x75: {  	v14 =	vld [tilespmem:s16+$0xB0]  }
0x76: {  	v25 =	vld [tilespmem:s16+$0xFFFFFFC0]  }
0x77: {  	v26 =	vld [tilespmem:s16+$0xFFFFFFD0]  }
0x78: {  	v27 =	vld [tilespmem:s16+$0xFFFFFFE0]  }
0x79: {  	v28 =	vld [tilespmem:s16+$0xFFFFFFF0]  }
0x7a: {  	v29 =	vld [tilespmem:s16+$0x0]  }
0x7b: {  	v30 =	vld [tilespmem:s16+$0x10]  }
0x7c: {  	v31 =	vld [tilespmem:s16+$0x20]  }
0x7d: {  	v32 =	vld [tilespmem:s16+$0x30]  }
0x7e: {  	v33 =	vld [tilespmem:s16+$0xFFFFFF40]  }
0x7f: {  	v34 =	vld [tilespmem:s16+$0xFFFFFF50]  }
0x80: {  	v35 =	vld [tilespmem:s16+$0xFFFFFF60]  }
0x81: {  	v36 =	vld [tilespmem:s16+$0xFFFFFF70]  }
0x82: {  	v37 =	vld [tilespmem:s16+$0xFFFFFF80]  }
0x83: {  	v38 =	vld [tilespmem:s16+$0xFFFFFF90]  }
0x84: {  	v39 =	vld [tilespmem:s16+$0xFFFFFFA0]  }
0x85: {  	v40 =	vld [tilespmem:s16+$0xFFFFFFB0]  }
0x86: {  	v41 =	vld [tilespmem:s16+$0xFFFFFEC0]  }
0x87: {  	v42 =	vld [tilespmem:s16+$0xFFFFFED0]  }
0x88: {  	v43 =	vld [tilespmem:s16+$0xFFFFFEE0]  }
0x89: {  	v44 =	vld [tilespmem:s16+$0xFFFFFEF0]  }
0x8a: {  	v45 =	vld [tilespmem:s16+$0xFFFFFF00]  }
0x8b: {  	v46 =	vld [tilespmem:s16+$0xFFFFFF10]  }
0x8c: {  	v47 =	vld [tilespmem:s16+$0xFFFFFF20]  }
0x8d: {  	v48 =	vld [tilespmem:s16+$0xFFFFFF30]  }
0x8e: {  	v20 =	vld.idx.msk [tilespmem:v20+s2+$0x0], $0xffff  }
0x8f: {  	v49 =	vld.idx.msk [tilespmem:v16+s2+$0x0], $0xffff  }
0x90: {  	v50 =	vld.idx.msk [tilespmem:v17+s2+$0x0], $0xffff  }
0x91: {  	v51 =	vld.idx.msk [tilespmem:v18+s2+$0x0], $0xffff  }
0x92: {  	v1 =	vld.idx.msk [tilespmem:v19+s2+$0x0], $0xffff  }
0x93: {  	v0 =	vld.idx.msk [tilespmem:v0+s2+$0x0], $0xffff  }
0x94: {  	v18 =	vld.idx.msk [tilespmem:v3+s2+$0x0], $0xffff  }
0x95: {  	v19 =	vld.idx.msk [tilespmem:v6+s2+$0x0], $0xffff  }
0x96: {  	v21 =	vld.idx.msk [tilespmem:v21+s2+$0x0], $0xffff  }
0x97: {  	v22 =	vld.idx.msk [tilespmem:v22+s2+$0x0], $0xffff  }
0x98: {  	v6 =	vld.idx.msk [tilespmem:v23+s2+$0x0], $0xffff  }
0x99: {  	v3 =	vld.idx.msk [tilespmem:v24+s2+$0x0], $0xffff  }
0x9a: {  	v23 =	vld.idx.msk [tilespmem:v25+s2+$0x0], $0xffff  }
0x9b: {  	v24 =	vld.idx.msk [tilespmem:v26+s2+$0x0], $0xffff  }
0x9c: {  	v25 =	vld.idx.msk [tilespmem:v27+s2+$0x0], $0xffff  }
0x9d: {  	v26 =	vld.idx.msk [tilespmem:v28+s2+$0x0], $0xffff  }
0x9e: {  	v27 =	vld.idx.msk [tilespmem:v33+s2+$0x0], $0xffff  }
0x9f: {  	v28 =	vld.idx.msk [tilespmem:v34+s2+$0x0], $0xffff  }
0xa0: {  	v33 =	vld.idx.msk [tilespmem:v41+s2+$0x0], $0xffff  }
0xa1: {  	v34 =	vld.idx.msk [tilespmem:v42+s2+$0x0], $0xffff  }
0xa2: {  	v41 =	vld.idx.msk [tilespmem:v43+s2+$0x0], $0xffff  }
0xa3: {  	v42 =	vld.idx.msk [tilespmem:v44+s2+$0x0], $0xffff  }
0xa4: {  	v35 =	vld.idx.msk [tilespmem:v35+s2+$0x0], $0xffff  }
0xa5: {  	s15 =	sadd.s32 $0x5, s15;
	v36 =	vld.idx.msk [tilespmem:v36+s2+$0x0], $0xffff  }
0xa6: {  	p0 =	slt.u32 s15, $0xC3;
	v17 =	vld.idx.msk [tilespmem:v29+s2+$0x0], $0xffff  }
0xa7: {  	v16 =	vld.idx.msk [tilespmem:v30+s2+$0x0], $0xffff  }
0xa8: {  	v7 =	vadd.f32 v33, v7;
	v5 =	vadd.f32 v34, v5;
	v29 =	vld.idx.msk [tilespmem:v37+s2+$0x0], $0xffff  }
0xa9: {  	v4 =	vadd.f32 v41, v4;
	v2 =	vadd.f32 v42, v2;
	v30 =	vld.idx.msk [tilespmem:v38+s2+$0x0], $0xffff  }
0xaa: {  	v7 =	vadd.f32 v27, v7;
	v5 =	vadd.f32 v28, v5;
	v33 =	vld.idx.msk [tilespmem:v45+s2+$0x0], $0xffff  }
0xab: {  	v4 =	vadd.f32 v35, v4;
	v2 =	vadd.f32 v36, v2;
	v27 =	vld.idx.msk [tilespmem:v46+s2+$0x0], $0xffff  }
0xac: {  	v7 =	vadd.f32 v23, v7;
	v5 =	vadd.f32 v24, v5;
	v28 =	vld.idx.msk [tilespmem:v47+s2+$0x0], $0xffff  }
0xad: {  	v4 =	vadd.f32 v25, v4;
	v2 =	vadd.f32 v26, v2;
	v23 =	vld.idx.msk [tilespmem:v48+s2+$0x0], $0xffff  }
0xae: {  	v7 =	vadd.f32 v18, v7;
	v5 =	vadd.f32 v19, v5;
	v24 =	vld.idx.msk [tilespmem:v39+s2+$0x0], $0xffff  }
0xaf: {  	v4 =	vadd.f32 v21, v4;
	v2 =	vadd.f32 v22, v2;
	v25 =	vld.idx.msk [tilespmem:v40+s2+$0x0], $0xffff  }
0xb0: {  	v7 =	vadd.f32 v20, v7;
	v5 =	vadd.f32 v49, v5;
	v19 =	vld.idx.msk [tilespmem:v31+s2+$0x0], $0xffff  }
.Ltmp0:
0xb1: {  	v4 =	vadd.f32 v50, v4;
	v2 =	vadd.f32 v51, v2;
	v18 =	vld.idx.msk [tilespmem:v32+s2+$0x0], $0xffff;
	(pc) =	sbr.rel @p0 .LBB2_2-.Ltmp0, $4  }
0xb2: {  	v20 =	vadd.f32 v33, v10;
	v21 =	vadd.f32 v27, v11;
	v11 =	vld.idx.msk [tilespmem:v15+s2+$0x0], $0xffff  }
0xb3: {  	v12 =	vadd.f32 v28, v12;
	v22 =	vadd.f32 v23, v13;
	v10 =	vld.idx.msk [tilespmem:v14+s2+$0x0], $0xffff  }
0xb4: {  	v15 =	vadd.f32 v29, v20;
	v14 =	vadd.f32 v30, v21;
	v9 =	vld.idx.msk [tilespmem:v9+s2+$0x0], $0xffff  }
0xb5: {  	s16 =	sadd.s32 $0x280, s16;
	v13 =	vadd.f32 v24, v12;
	v12 =	vadd.f32 v25, v22;
	v8 =	vld.idx.msk [tilespmem:v8+s2+$0x0], $0xffff  }
0xb6: {  	v7 =	vmul.f32 $4.999999890e-03, v7;
	_ =	sdelay $0x1  }
0xb7: {  	v7 =	vsub.f32 $0.0e+00, v7;
	_ =	sdelay $0x1  }
0xb8: {  	v7 =	vmul.f32 $1.442695020e+00, v7;
	_ =	sdelay $0x1  }
0xb9: {  	(erf) = vpow2.f32 v7;
	_ =	sdelay $0x6  }
0xba: {  	v5 =	vmul.f32 $4.999999890e-03, v5;
	_ =	sdelay $0x1  }
0xbb: {  	v5 =	vsub.f32 $0.0e+00, v5;
	v7 =	vpop (erf)  }
0xbc: {  	v7 =	vadd.f32 $1.000000000e+00, v7  }
0xbd: {  	v5 =	vmul.f32 $1.442695020e+00, v5  }
0xbe: {  	(erf) = vrcp.f32 v7  }
0xbf: {  	(erf) = vpow2.f32 v5;
	_ =	sdelay $0x6  }
0xc0: {  	v4 =	vmul.f32 $4.999999890e-03, v4  }
0xc1: {  	v47 =	vpop (erf)  }
0xc2: {  	v4 =	vsub.f32 $0.0e+00, v4;
	v48 =	vpop (erf)  }
0xc3: {  	v7 =	vadd.f32 $1.000000000e+00, v48  }
0xc4: {  	v4 =	vmul.f32 $1.442695020e+00, v4  }
0xc5: {  	(erf) = vrcp.f32 v7  }
0xc6: {  	(erf) = vpow2.f32 v4;
	_ =	sdelay $0x6  }
0xc7: {  	v2 =	vmul.f32 $4.999999890e-03, v2  }
0xc8: {  	v49 =	vpop (erf)  }
0xc9: {  	v2 =	vsub.f32 $0.0e+00, v2;
	v50 =	vpop (erf)  }
0xca: {  	v7 =	vadd.f32 $1.000000000e+00, v50  }
0xcb: {  	v2 =	vmul.f32 $1.442695020e+00, v2  }
0xcc: {  	(erf) = vrcp.f32 v7  }
0xcd: {  	(erf) = vpow2.f32 v2  }
0xce: {  	v51 =	vadd.f32 v17, v15;
	_ =	sdelay $0x1  }
0xcf: {  	v2 =	vadd.f32 v6, v51;
	_ =	sdelay $0x1  }
0xd0: {  	v1 =	vadd.f32 v1, v2;
	_ =	sdelay $0x1  }
0xd1: {  	v1 =	vmul.f32 $4.999999890e-03, v1  }
0xd2: {  	v52 =	vpop (erf)  }
0xd3: {  	v1 =	vsub.f32 $0.0e+00, v1;
	v53 =	vpop (erf)  }
0xd4: {  	v6 =	vadd.f32 $1.000000000e+00, v53  }
0xd5: {  	v1 =	vmul.f32 $1.442695020e+00, v1  }
0xd6: {  	(erf) = vrcp.f32 v6  }
0xd7: {  	(erf) = vpow2.f32 v1  }
0xd8: {  	v54 =	vadd.f32 v16, v14;
	_ =	sdelay $0x1  }
0xd9: {  	v1 =	vadd.f32 v3, v54;
	_ =	sdelay $0x1  }
0xda: {  	v0 =	vadd.f32 v0, v1;
	_ =	sdelay $0x1  }
0xdb: {  	v0 =	vmul.f32 $4.999999890e-03, v0  }
0xdc: {  	v55 =	vpop (erf)  }
0xdd: {  	v0 =	vsub.f32 $0.0e+00, v0;
	v56 =	vpop (erf)  }
0xde: {  	v3 =	vadd.f32 $1.000000000e+00, v56  }
0xdf: {  	v0 =	vmul.f32 $1.442695020e+00, v0  }
0xe0: {  	(erf) = vrcp.f32 v3  }
0xe1: {  	(erf) = vpow2.f32 v0  }
0xe2: {  	v57 =	vadd.f32 v19, v13;
	_ =	sdelay $0x1  }
0xe3: {  	v0 =	vadd.f32 v11, v57;
	_ =	sdelay $0x1  }
0xe4: {  	v0 =	vadd.f32 v9, v0;
	_ =	sdelay $0x1  }
0xe5: {  	v0 =	vmul.f32 $4.999999890e-03, v0  }
0xe6: {  	v3 =	vpop (erf)  }
0xe7: {  	v0 =	vsub.f32 $0.0e+00, v0;
	v58 =	vpop (erf)  }
0xe8: {  	v6 =	vadd.f32 $1.000000000e+00, v58  }
0xe9: {  	v0 =	vmul.f32 $1.442695020e+00, v0  }
0xea: {  	(erf) = vrcp.f32 v6  }
0xeb: {  	(erf) = vpow2.f32 v0  }
0xec: {  	v59 =	vadd.f32 v18, v12;
	_ =	sdelay $0x1  }
0xed: {  	v0 =	vadd.f32 v10, v59;
	_ =	sdelay $0x1  }
0xee: {  	v0 =	vadd.f32 v8, v0;
	_ =	sdelay $0x1  }
0xef: {  	v0 =	vmul.f32 $4.999999890e-03, v0  }
0xf0: {  	v6 =	vpop (erf)  }
0xf1: {  	v0 =	vsub.f32 $0.0e+00, v0;
	v60 =	vpop (erf)  }
0xf2: {  	v7 =	vadd.f32 $1.000000000e+00, v60  }
0xf3: {  	v0 =	vmul.f32 $1.442695020e+00, v0  }
0xf4: {  	(erf) = vrcp.f32 v7  }
0xf5: {  	(erf) = vpow2.f32 v0;
	_ =	sdelay $0x7  }
0xf6: {  	v61 =	vpop (erf)  }
0xf7: {  	v62 =	vpop (erf)  }
0xf8: {  	v7 =	vadd.f32 $1.000000000e+00, v62;
	_ =	sdelay $0x1  }
0xf9: {  	(erf) = vrcp.f32 v7;
	_ =	sdelay $0x2  }
0xfa: {  	[tilespmem:$0x1EB00] =	vst v47  }
0xfb: {  	[tilespmem:$0x1EB10] =	vst v49  }
0xfc: {  	[tilespmem:$0x1EB20] =	vst v52  }
0xfd: {  	[tilespmem:$0x1EB30] =	vst v55  }
0xfe: {  	[tilespmem:$0x1EB40] =	vst v3  }
0xff: {  	s14 =	sadd.s32 $0x1, s14;
	[tilespmem:$0x1EB50] =	vst v6  }
0x100: {  	p0 =	sne.s32 s14, s6;
	[tilespmem:$0x1EB60] =	vst v61;
	v63 =	vpop (erf)  }
.Ltmp1:
0x101: {  	[tilespmem:$0x1EB70] =	vst v63;
	(pc) =	sbr.rel @p0 .LBB2_1-.Ltmp1, $4  }
0x102: {  	[hbm4b:s5+s2] =	stream.linear.scatter [tilespmem:s12], [sflag:$0x3], $0x80, $0x38;
	[tilespmem:$0x1EB80] =	vst v63  }
0x103: {  	_ =	swait.ge [sflag:s13], $0x80  }
0x104: {  	[sflag:s13] =	ssyncset.done $0x0  }
0x105: {  	[sflag:s13] =	ssyncadd.s32 $0xFFFFFF80  }
0x106: {  	_ =	sfence.sel $0x180000  }
0x107: {  	[bflag:$0x0] =	sbarrier.arrive $0xFFFF  }
0x108: {  	p0 =	sne.s32 s1, $0x0;
	_ =	strace $0x90000047  }
0x109: {  	s0 =	sadd.s32 @!p0 $0x100000, s0;
	[bflag:$0x2] =	sbarrier.arrive $0xFFFF  }
0x10a: {  	[sflag:s0] =	ssyncadd.tile.s32 @!p0 $0x1;
	_ =	shalt  }
.Lfunc_end2:
_tile_overlayer_lowered:
.L_overlay_start_2:
0x10b: {  	(tag) =	ssettag $0x2  }
0x10c: {  	s0 =	rddreg [dreg:$0x0];
	s2 =	stileid.u32  }
0x10d: {  	s1 =	rddreg [dreg:$0x1];
	p0 =	sne.s32 s2, $0x0  }
0x10e: {  	s3 =	rddreg [dreg:$0x2];
	[bflag:$0x3] =	sbarrier.arrive $0xFFFF;
	s2 =	simm.s32 @!p0 $0x1C03  }
0x10f: {  	[timem:s3], [sflag:s2] =	dma.local @!p0 [hbm:s0], s1  }
0x110: {  	s0 =	simm.s32 @!p0 $0x3  }
0x111: {  	_ =	swait.ge @!p0 [sflag:s0], s1  }
0x112: {  	s1 =	ssub.s32 @!p0 $0x0, s1;
	[sflag:s0] =	ssyncset.done @!p0 $0x0  }
0x113: {  	[sflag:s0] =	ssyncadd.s32 @!p0 s1  }
0x114: {  	[bflag:$0x3] =	sbarrier.arrive $0xFFFF  }
0x115: {  	_ =	shalt  }

</sc_bundles>
